<compile_context>
chip_gen: v7x
topology: tpu7x:2x2x1
jax: 0.10.2.dev20260603
libtpu: 0.0.44.dev20260713+nightly
codegen_flags: <defaults>
</compile_context>

<pallas_src>
import functools

import jax
import jax.numpy as jnp
from jax import lax
from jax.experimental import pallas as pl
from jax.experimental.pallas import tpu as pltpu
from jax.experimental.pallas import tpu_sc as plsc

NUM_CORES = 2
NUM_SUBCORES = 16
NUM_WORKERS = NUM_CORES * NUM_SUBCORES
CHUNK = 128
NBUF = 10
GDEPTH = NBUF - 2


def _emb_kernel_body(n_chunks, d, x_hbm, table_hbm, out_hbm, idx_v, rows_v,
                     gsem, ssem):
  wid = lax.axis_index("s") * NUM_CORES + lax.axis_index("c")
  base = wid * n_chunks
  pltpu.sync_copy(x_hbm.at[wid], idx_v)

  def out_at(j):
    return out_hbm.at[pl.ds((base + j) * CHUNK, CHUNK), :]

  for b in range(GDEPTH):
    pltpu.async_copy(table_hbm.at[idx_v.at[b]], rows_v.at[b], gsem.at[b])

  @pl.loop(0, n_chunks, step=NBUF)
  def _(g):
    for b in range(NBUF):
      j = g + b
      pltpu.make_async_copy(table_hbm.at[idx_v.at[j]], rows_v.at[b],
                            gsem.at[b]).wait()
      pltpu.async_copy(rows_v.at[b], out_at(j), ssem.at[b])

      nxt = j + GDEPTH
      b2 = (b + GDEPTH) % NBUF

      @pl.when(jnp.logical_and(nxt < n_chunks, nxt >= NBUF))
      def _():
        pltpu.make_async_copy(rows_v.at[b2], out_at(nxt - NBUF),
                              ssem.at[b2]).wait()

      @pl.when(nxt < n_chunks)
      def _():
        pltpu.async_copy(table_hbm.at[idx_v.at[nxt]], rows_v.at[b2],
                         gsem.at[b2])

  for b in range(NBUF):
    pltpu.make_async_copy(rows_v.at[b], out_at(n_chunks - NBUF + b),
                          ssem.at[b]).wait()


def kernel(x, table):
  b, h = x.shape
  _, d = table.shape
  n = b * h
  assert n % (NUM_WORKERS * CHUNK) == 0
  n_chunks = n // (NUM_WORKERS * CHUNK)

  x_flat = x.reshape(NUM_WORKERS, n_chunks, CHUNK).astype(jnp.int32)

  mesh = plsc.VectorSubcoreMesh(
      core_axis_name="c", subcore_axis_name="s", num_cores=NUM_CORES,
      num_subcores=NUM_SUBCORES)

  emb = pl.kernel(
      functools.partial(_emb_kernel_body, n_chunks, d),
      out_type=jax.ShapeDtypeStruct((n, d), jnp.float32),
      mesh=mesh,
      scratch_types=[
          pltpu.VMEM((n_chunks, CHUNK), jnp.int32),
          pltpu.VMEM((NBUF, CHUNK, d), jnp.float32),
          pltpu.SemaphoreType.DMA((NBUF,)),
          pltpu.SemaphoreType.DMA((NBUF,)),
      ],
      compiler_params=pltpu.CompilerParams(use_tc_tiling_on_sc=False),
  )
  out = emb(x_flat, table)
  return out.reshape(b, h, d)

# --- scband reference (transcript-rebuilt; emitter-appended) ---
"""Pipeline reference for scband-torch-embedding-73418170958344 (READ-ONLY COPY).

The authoritative reference and input builder live on the scoring server;
editing this copy changes nothing except your own understanding.
"""

import jax, jax.numpy as jnp
import numpy as np
from math import sqrt

NUM_EMBEDDINGS = 1000000
EMBEDDING_DIM = 32
INIT_CONSTANT = 1.0


def setup_inputs(seed: int = 0) -> dict:
    key = jax.random.key(seed)
    k_idx, k_tab = jax.random.split(key)
    # indices into the embedding table, shape [batch, hist_len]
    x = jax.random.randint(k_idx, (4096, 200), 0, NUM_EMBEDDINGS)
    # embedding table with 'scaled_variance' init: std = init_constant / sqrt(embedding_dim)
    std = INIT_CONSTANT / sqrt(EMBEDDING_DIM)
    table = jax.random.normal(k_tab, (NUM_EMBEDDINGS, EMBEDDING_DIM), dtype=jnp.float32) * std
    return {"x": x, "table": table}


def reference(x, table):
    # Faithful translation of nn.Embed.__call__: gather rows of the table by index.
    return jnp.take(table, x, axis=0)

if __name__ == "__main__":
    import jax
    _d = setup_inputs()
    print(jax.jit(kernel)(*tuple(_d.values())))

</pallas_src>

<mosaic_0001>
#map = affine_map<(d0, d1) -> (0, 0, 0)>
#map1 = affine_map<(d0, d1) -> (0, 0)>
module attributes {stable_mosaic.version = 14 : i64} {
  func.func @_emb_kernel_body(%arg0: i32, %arg1: i32, %arg2: memref<32x200x128xi32, #tpu.memory_space<hbm>>, %arg3: memref<1000000x32xf32, #tpu.memory_space<hbm>>, %arg4: memref<819200x32xf32, #tpu.memory_space<hbm>>, %arg5: memref<200x128xi32, #tpu.memory_space<vmem>>, %arg6: memref<10x128x32xf32, #tpu.memory_space<vmem>>, %arg7: memref<10x!tpu.dma_semaphore, #tpu.memory_space<semaphore_mem>>, %arg8: memref<10x!tpu.dma_semaphore, #tpu.memory_space<semaphore_mem>>) attributes {dimension_semantics = [#tpu.dimension_semantics<core_parallel>, #tpu.dimension_semantics<subcore_parallel>], iteration_bounds = array<i64: 2, 16>, scalar_prefetch = 0 : i64, scratch_operands = 4 : i64, tpu.core_type = #tpu.core_type<sc_vector_subcore>, window_params = [{transform_indices = #map}, {transform_indices = #map1}, {transform_indices = #map1}]} {
    %mul3A = arith.constant 2 : i32
    %mul3A_0 = arith.muli %arg1, %mul3A : i32
    %add3A = arith.addi %mul3A_0, %arg0 : i32
    %mul3A_1 = arith.constant 200 : i32
    %mul3A_2 = arith.muli %add3A, %mul3A_1 : i32
    "tpu.region"() ({
      %run_scoped3A = tpu.sem_alloc : memref<!tpu.dma_semaphore, #tpu.memory_space<semaphore_mem>>
      %dma_start3A_325 = arith.constant 0 : i32
      %dma_start3A_326 = arith.constant 0 : i32
      %dma_start3A_327 = tpu.memref_slice %arg2[%add3A, %dma_start3A_325, %dma_start3A_326] : memref<32x200x128xi32, #tpu.memory_space<hbm>> -> memref<1x200x128xi32, #tpu.memory_space<hbm>>
      %dma_start3A_328 = tpu.memref_squeeze %dma_start3A_327 : memref<1x200x128xi32, #tpu.memory_space<hbm>> -> memref<200x128xi32, #tpu.memory_space<hbm>>
      %dma_start3A_329 = arith.constant 0 : i32
      %dma_start3A_330 = arith.constant 0 : i32
      %dma_start3A_331 = tpu.memref_slice %arg2[%add3A, %dma_start3A_329, %dma_start3A_330] : memref<32x200x128xi32, #tpu.memory_space<hbm>> -> memref<1x200x128xi32, #tpu.memory_space<hbm>>
      %dma_start3A_332 = tpu.memref_squeeze %dma_start3A_331 : memref<1x200x128xi32, #tpu.memory_space<hbm>> -> memref<200x128xi32, #tpu.memory_space<hbm>>
      tpu.enqueue_dma source(%dma_start3A_332 : memref<200x128xi32, #tpu.memory_space<hbm>>) target(%arg5 : memref<200x128xi32, #tpu.memory_space<vmem>>) target_semaphore(%run_scoped3A : memref<!tpu.dma_semaphore, #tpu.memory_space<semaphore_mem>>)
      %dma_wait3A_333 = arith.constant 0 : i32
      %dma_wait3A_334 = arith.constant 0 : i32
      %dma_wait3A_335 = tpu.memref_slice %arg2[%add3A, %dma_wait3A_333, %dma_wait3A_334] : memref<32x200x128xi32, #tpu.memory_space<hbm>> -> memref<1x200x128xi32, #tpu.memory_space<hbm>>
      %dma_wait3A_336 = tpu.memref_squeeze %dma_wait3A_335 : memref<1x200x128xi32, #tpu.memory_space<hbm>> -> memref<200x128xi32, #tpu.memory_space<hbm>>
      %dma_wait3A_337 = arith.constant 0 : i32
      %dma_wait3A_338 = arith.constant 0 : i32
      %dma_wait3A_339 = tpu.memref_slice %arg2[%add3A, %dma_wait3A_337, %dma_wait3A_338] : memref<32x200x128xi32, #tpu.memory_space<hbm>> -> memref<1x200x128xi32, #tpu.memory_space<hbm>>
      %dma_wait3A_340 = tpu.memref_squeeze %dma_wait3A_339 : memref<1x200x128xi32, #tpu.memory_space<hbm>> -> memref<200x128xi32, #tpu.memory_space<hbm>>
      tpu.wait_dma2 semaphore(%run_scoped3A : memref<!tpu.dma_semaphore, #tpu.memory_space<semaphore_mem>>) src(%dma_wait3A_340 : memref<200x128xi32, #tpu.memory_space<hbm>>) dst(%arg5 : memref<200x128xi32, #tpu.memory_space<vmem>>)
      tpu.yield
    }) : () -> ()
    %dma_start3A = arith.constant 0 : i32
    %dma_start3A_3 = arith.constant 0 : i32
    %dma_start3A_4 = arith.constant 0 : i32
    %dma_start3A_5 = arith.constant 0 : i32
    %dma_start3A_6 = arith.constant 0 : i32
    %dma_start3A_7 = tpu.memref_slice %arg6[%dma_start3A_3, %dma_start3A_5, %dma_start3A_6] : memref<10x128x32xf32, #tpu.memory_space<vmem>> -> memref<1x128x32xf32, #tpu.memory_space<vmem>>
    %dma_start3A_8 = tpu.memref_squeeze %dma_start3A_7 : memref<1x128x32xf32, #tpu.memory_space<vmem>> -> memref<128x32xf32, #tpu.memory_space<vmem>>
    %dma_start3A_9 = arith.constant 0 : i32
    %dma_start3A_10 = tpu.memref_slice %arg5[%dma_start3A, %dma_start3A_9] : memref<200x128xi32, #tpu.memory_space<vmem>> -> memref<1x128xi32, #tpu.memory_space<vmem>>
    %dma_start3A_11 = tpu.memref_squeeze %dma_start3A_10 : memref<1x128xi32, #tpu.memory_space<vmem>> -> memref<128xi32, #tpu.memory_space<vmem>>
    %dma_start3A_12 = arith.constant 0 : i32
    %dma_start3A_13 = arith.constant 0 : i32
    %dma_start3A_14 = tpu.memref_slice %arg3[%dma_start3A_12, %dma_start3A_13] : memref<1000000x32xf32, #tpu.memory_space<hbm>> -> memref<1000000x32xf32, #tpu.memory_space<hbm>>
    %dma_start3A_15 = tpu.memref_slice %arg7[%dma_start3A_4] : memref<10x!tpu.dma_semaphore, #tpu.memory_space<semaphore_mem>> -> memref<1x!tpu.dma_semaphore, #tpu.memory_space<semaphore_mem>>
    %dma_start3A_16 = tpu.memref_squeeze %dma_start3A_15 : memref<1x!tpu.dma_semaphore, #tpu.memory_space<semaphore_mem>> -> memref<!tpu.dma_semaphore, #tpu.memory_space<semaphore_mem>>
    tpu.enqueue_indirect_dma source(%dma_start3A_14 : memref<1000000x32xf32, #tpu.memory_space<hbm>>) target(%dma_start3A_8 : memref<128x32xf32, #tpu.memory_space<vmem>>) offsets(%dma_start3A_11 : memref<128xi32, #tpu.memory_space<vmem>>) semaphore(%dma_start3A_16 : memref<!tpu.dma_semaphore, #tpu.memory_space<semaphore_mem>>)
    %dma_start3A_17 = arith.constant 1 : i32
    %dma_start3A_18 = arith.constant 1 : i32
    %dma_start3A_19 = arith.constant 1 : i32
    %dma_start3A_20 = arith.constant 0 : i32
    %dma_start3A_21 = arith.constant 0 : i32
    %dma_start3A_22 = tpu.memref_slice %arg6[%dma_start3A_18, %dma_start3A_20, %dma_start3A_21] : memref<10x128x32xf32, #tpu.memory_space<vmem>> -> memref<1x128x32xf32, #tpu.memory_space<vmem>>
    %dma_start3A_23 = tpu.memref_squeeze %dma_start3A_22 : memref<1x128x32xf32, #tpu.memory_space<vmem>> -> memref<128x32xf32, #tpu.memory_space<vmem>>
    %dma_start3A_24 = arith.constant 0 : i32
    %dma_start3A_25 = tpu.memref_slice %arg5[%dma_start3A_17, %dma_start3A_24] : memref<200x128xi32, #tpu.memory_space<vmem>> -> memref<1x128xi32, #tpu.memory_space<vmem>>
    %dma_start3A_26 = tpu.memref_squeeze %dma_start3A_25 : memref<1x128xi32, #tpu.memory_space<vmem>> -> memref<128xi32, #tpu.memory_space<vmem>>
    %dma_start3A_27 = arith.constant 0 : i32
    %dma_start3A_28 = arith.constant 0 : i32
    %dma_start3A_29 = tpu.memref_slice %arg3[%dma_start3A_27, %dma_start3A_28] : memref<1000000x32xf32, #tpu.memory_space<hbm>> -> memref<1000000x32xf32, #tpu.memory_space<hbm>>
    %dma_start3A_30 = tpu.memref_slice %arg7[%dma_start3A_19] : memref<10x!tpu.dma_semaphore, #tpu.memory_space<semaphore_mem>> -> memref<1x!tpu.dma_semaphore, #tpu.memory_space<semaphore_mem>>
    %dma_start3A_31 = tpu.memref_squeeze %dma_start3A_30 : memref<1x!tpu.dma_semaphore, #tpu.memory_space<semaphore_mem>> -> memref<!tpu.dma_semaphore, #tpu.memory_space<semaphore_mem>>
    tpu.enqueue_indirect_dma source(%dma_start3A_29 : memref<1000000x32xf32, #tpu.memory_space<hbm>>) target(%dma_start3A_23 : memref<128x32xf32, #tpu.memory_space<vmem>>) offsets(%dma_start3A_26 : memref<128xi32, #tpu.memory_space<vmem>>) semaphore(%dma_start3A_31 : memref<!tpu.dma_semaphore, #tpu.memory_space<semaphore_mem>>)
    %dma_start3A_32 = arith.constant 2 : i32
    %dma_start3A_33 = arith.constant 2 : i32
    %dma_start3A_34 = arith.constant 2 : i32
    %dma_start3A_35 = arith.constant 0 : i32
    %dma_start3A_36 = arith.constant 0 : i32
    %dma_start3A_37 = tpu.memref_slice %arg6[%dma_start3A_33, %dma_start3A_35, %dma_start3A_36] : memref<10x128x32xf32, #tpu.memory_space<vmem>> -> memref<1x128x32xf32, #tpu.memory_space<vmem>>
    %dma_start3A_38 = tpu.memref_squeeze %dma_start3A_37 : memref<1x128x32xf32, #tpu.memory_space<vmem>> -> memref<128x32xf32, #tpu.memory_space<vmem>>
    %dma_start3A_39 = arith.constant 0 : i32
    %dma_start3A_40 = tpu.memref_slice %arg5[%dma_start3A_32, %dma_start3A_39] : memref<200x128xi32, #tpu.memory_space<vmem>> -> memref<1x128xi32, #tpu.memory_space<vmem>>
    %dma_start3A_41 = tpu.memref_squeeze %dma_start3A_40 : memref<1x128xi32, #tpu.memory_space<vmem>> -> memref<128xi32, #tpu.memory_space<vmem>>
    %dma_start3A_42 = arith.constant 0 : i32
    %dma_start3A_43 = arith.constant 0 : i32
    %dma_start3A_44 = tpu.memref_slice %arg3[%dma_start3A_42, %dma_start3A_43] : memref<1000000x32xf32, #tpu.memory_space<hbm>> -> memref<1000000x32xf32, #tpu.memory_space<hbm>>
    %dma_start3A_45 = tpu.memref_slice %arg7[%dma_start3A_34] : memref<10x!tpu.dma_semaphore, #tpu.memory_space<semaphore_mem>> -> memref<1x!tpu.dma_semaphore, #tpu.memory_space<semaphore_mem>>
    %dma_start3A_46 = tpu.memref_squeeze %dma_start3A_45 : memref<1x!tpu.dma_semaphore, #tpu.memory_space<semaphore_mem>> -> memref<!tpu.dma_semaphore, #tpu.memory_space<semaphore_mem>>
    tpu.enqueue_indirect_dma source(%dma_start3A_44 : memref<1000000x32xf32, #tpu.memory_space<hbm>>) target(%dma_start3A_38 : memref<128x32xf32, #tpu.memory_space<vmem>>) offsets(%dma_start3A_41 : memref<128xi32, #tpu.memory_space<vmem>>) semaphore(%dma_start3A_46 : memref<!tpu.dma_semaphore, #tpu.memory_space<semaphore_mem>>)
    %dma_start3A_47 = arith.constant 3 : i32
    %dma_start3A_48 = arith.constant 3 : i32
    %dma_start3A_49 = arith.constant 3 : i32
    %dma_start3A_50 = arith.constant 0 : i32
    %dma_start3A_51 = arith.constant 0 : i32
    %dma_start3A_52 = tpu.memref_slice %arg6[%dma_start3A_48, %dma_start3A_50, %dma_start3A_51] : memref<10x128x32xf32, #tpu.memory_space<vmem>> -> memref<1x128x32xf32, #tpu.memory_space<vmem>>
    %dma_start3A_53 = tpu.memref_squeeze %dma_start3A_52 : memref<1x128x32xf32, #tpu.memory_space<vmem>> -> memref<128x32xf32, #tpu.memory_space<vmem>>
    %dma_start3A_54 = arith.constant 0 : i32
    %dma_start3A_55 = tpu.memref_slice %arg5[%dma_start3A_47, %dma_start3A_54] : memref<200x128xi32, #tpu.memory_space<vmem>> -> memref<1x128xi32, #tpu.memory_space<vmem>>
    %dma_start3A_56 = tpu.memref_squeeze %dma_start3A_55 : memref<1x128xi32, #tpu.memory_space<vmem>> -> memref<128xi32, #tpu.memory_space<vmem>>
    %dma_start3A_57 = arith.constant 0 : i32
    %dma_start3A_58 = arith.constant 0 : i32
    %dma_start3A_59 = tpu.memref_slice %arg3[%dma_start3A_57, %dma_start3A_58] : memref<1000000x32xf32, #tpu.memory_space<hbm>> -> memref<1000000x32xf32, #tpu.memory_space<hbm>>
    %dma_start3A_60 = tpu.memref_slice %arg7[%dma_start3A_49] : memref<10x!tpu.dma_semaphore, #tpu.memory_space<semaphore_mem>> -> memref<1x!tpu.dma_semaphore, #tpu.memory_space<semaphore_mem>>
    %dma_start3A_61 = tpu.memref_squeeze %dma_start3A_60 : memref<1x!tpu.dma_semaphore, #tpu.memory_space<semaphore_mem>> -> memref<!tpu.dma_semaphore, #tpu.memory_space<semaphore_mem>>
    tpu.enqueue_indirect_dma source(%dma_start3A_59 : memref<1000000x32xf32, #tpu.memory_space<hbm>>) target(%dma_start3A_53 : memref<128x32xf32, #tpu.memory_space<vmem>>) offsets(%dma_start3A_56 : memref<128xi32, #tpu.memory_space<vmem>>) semaphore(%dma_start3A_61 : memref<!tpu.dma_semaphore, #tpu.memory_space<semaphore_mem>>)
    %dma_start3A_62 = arith.constant 4 : i32
    %dma_start3A_63 = arith.constant 4 : i32
    %dma_start3A_64 = arith.constant 4 : i32
    %dma_start3A_65 = arith.constant 0 : i32
    %dma_start3A_66 = arith.constant 0 : i32
    %dma_start3A_67 = tpu.memref_slice %arg6[%dma_start3A_63, %dma_start3A_65, %dma_start3A_66] : memref<10x128x32xf32, #tpu.memory_space<vmem>> -> memref<1x128x32xf32, #tpu.memory_space<vmem>>
    %dma_start3A_68 = tpu.memref_squeeze %dma_start3A_67 : memref<1x128x32xf32, #tpu.memory_space<vmem>> -> memref<128x32xf32, #tpu.memory_space<vmem>>
    %dma_start3A_69 = arith.constant 0 : i32
    %dma_start3A_70 = tpu.memref_slice %arg5[%dma_start3A_62, %dma_start3A_69] : memref<200x128xi32, #tpu.memory_space<vmem>> -> memref<1x128xi32, #tpu.memory_space<vmem>>
    %dma_start3A_71 = tpu.memref_squeeze %dma_start3A_70 : memref<1x128xi32, #tpu.memory_space<vmem>> -> memref<128xi32, #tpu.memory_space<vmem>>
    %dma_start3A_72 = arith.constant 0 : i32
    %dma_start3A_73 = arith.constant 0 : i32
    %dma_start3A_74 = tpu.memref_slice %arg3[%dma_start3A_72, %dma_start3A_73] : memref<1000000x32xf32, #tpu.memory_space<hbm>> -> memref<1000000x32xf32, #tpu.memory_space<hbm>>
    %dma_start3A_75 = tpu.memref_slice %arg7[%dma_start3A_64] : memref<10x!tpu.dma_semaphore, #tpu.memory_space<semaphore_mem>> -> memref<1x!tpu.dma_semaphore, #tpu.memory_space<semaphore_mem>>
    %dma_start3A_76 = tpu.memref_squeeze %dma_start3A_75 : memref<1x!tpu.dma_semaphore, #tpu.memory_space<semaphore_mem>> -> memref<!tpu.dma_semaphore, #tpu.memory_space<semaphore_mem>>
    tpu.enqueue_indirect_dma source(%dma_start3A_74 : memref<1000000x32xf32, #tpu.memory_space<hbm>>) target(%dma_start3A_68 : memref<128x32xf32, #tpu.memory_space<vmem>>) offsets(%dma_start3A_71 : memref<128xi32, #tpu.memory_space<vmem>>) semaphore(%dma_start3A_76 : memref<!tpu.dma_semaphore, #tpu.memory_space<semaphore_mem>>)
    %dma_start3A_77 = arith.constant 5 : i32
    %dma_start3A_78 = arith.constant 5 : i32
    %dma_start3A_79 = arith.constant 5 : i32
    %dma_start3A_80 = arith.constant 0 : i32
    %dma_start3A_81 = arith.constant 0 : i32
    %dma_start3A_82 = tpu.memref_slice %arg6[%dma_start3A_78, %dma_start3A_80, %dma_start3A_81] : memref<10x128x32xf32, #tpu.memory_space<vmem>> -> memref<1x128x32xf32, #tpu.memory_space<vmem>>
    %dma_start3A_83 = tpu.memref_squeeze %dma_start3A_82 : memref<1x128x32xf32, #tpu.memory_space<vmem>> -> memref<128x32xf32, #tpu.memory_space<vmem>>
    %dma_start3A_84 = arith.constant 0 : i32
    %dma_start3A_85 = tpu.memref_slice %arg5[%dma_start3A_77, %dma_start3A_84] : memref<200x128xi32, #tpu.memory_space<vmem>> -> memref<1x128xi32, #tpu.memory_space<vmem>>
    %dma_start3A_86 = tpu.memref_squeeze %dma_start3A_85 : memref<1x128xi32, #tpu.memory_space<vmem>> -> memref<128xi32, #tpu.memory_space<vmem>>
    %dma_start3A_87 = arith.constant 0 : i32
    %dma_start3A_88 = arith.constant 0 : i32
    %dma_start3A_89 = tpu.memref_slice %arg3[%dma_start3A_87, %dma_start3A_88] : memref<1000000x32xf32, #tpu.memory_space<hbm>> -> memref<1000000x32xf32, #tpu.memory_space<hbm>>
    %dma_start3A_90 = tpu.memref_slice %arg7[%dma_start3A_79] : memref<10x!tpu.dma_semaphore, #tpu.memory_space<semaphore_mem>> -> memref<1x!tpu.dma_semaphore, #tpu.memory_space<semaphore_mem>>
    %dma_start3A_91 = tpu.memref_squeeze %dma_start3A_90 : memref<1x!tpu.dma_semaphore, #tpu.memory_space<semaphore_mem>> -> memref<!tpu.dma_semaphore, #tpu.memory_space<semaphore_mem>>
    tpu.enqueue_indirect_dma source(%dma_start3A_89 : memref<1000000x32xf32, #tpu.memory_space<hbm>>) target(%dma_start3A_83 : memref<128x32xf32, #tpu.memory_space<vmem>>) offsets(%dma_start3A_86 : memref<128xi32, #tpu.memory_space<vmem>>) semaphore(%dma_start3A_91 : memref<!tpu.dma_semaphore, #tpu.memory_space<semaphore_mem>>)
    %dma_start3A_92 = arith.constant 6 : i32
    %dma_start3A_93 = arith.constant 6 : i32
    %dma_start3A_94 = arith.constant 6 : i32
    %dma_start3A_95 = arith.constant 0 : i32
    %dma_start3A_96 = arith.constant 0 : i32
    %dma_start3A_97 = tpu.memref_slice %arg6[%dma_start3A_93, %dma_start3A_95, %dma_start3A_96] : memref<10x128x32xf32, #tpu.memory_space<vmem>> -> memref<1x128x32xf32, #tpu.memory_space<vmem>>
    %dma_start3A_98 = tpu.memref_squeeze %dma_start3A_97 : memref<1x128x32xf32, #tpu.memory_space<vmem>> -> memref<128x32xf32, #tpu.memory_space<vmem>>
    %dma_start3A_99 = arith.constant 0 : i32
    %dma_start3A_100 = tpu.memref_slice %arg5[%dma_start3A_92, %dma_start3A_99] : memref<200x128xi32, #tpu.memory_space<vmem>> -> memref<1x128xi32, #tpu.memory_space<vmem>>
    %dma_start3A_101 = tpu.memref_squeeze %dma_start3A_100 : memref<1x128xi32, #tpu.memory_space<vmem>> -> memref<128xi32, #tpu.memory_space<vmem>>
    %dma_start3A_102 = arith.constant 0 : i32
    %dma_start3A_103 = arith.constant 0 : i32
    %dma_start3A_104 = tpu.memref_slice %arg3[%dma_start3A_102, %dma_start3A_103] : memref<1000000x32xf32, #tpu.memory_space<hbm>> -> memref<1000000x32xf32, #tpu.memory_space<hbm>>
    %dma_start3A_105 = tpu.memref_slice %arg7[%dma_start3A_94] : memref<10x!tpu.dma_semaphore, #tpu.memory_space<semaphore_mem>> -> memref<1x!tpu.dma_semaphore, #tpu.memory_space<semaphore_mem>>
    %dma_start3A_106 = tpu.memref_squeeze %dma_start3A_105 : memref<1x!tpu.dma_semaphore, #tpu.memory_space<semaphore_mem>> -> memref<!tpu.dma_semaphore, #tpu.memory_space<semaphore_mem>>
    tpu.enqueue_indirect_dma source(%dma_start3A_104 : memref<1000000x32xf32, #tpu.memory_space<hbm>>) target(%dma_start3A_98 : memref<128x32xf32, #tpu.memory_space<vmem>>) offsets(%dma_start3A_101 : memref<128xi32, #tpu.memory_space<vmem>>) semaphore(%dma_start3A_106 : memref<!tpu.dma_semaphore, #tpu.memory_space<semaphore_mem>>)
    %dma_start3A_107 = arith.constant 7 : i32
    %dma_start3A_108 = arith.constant 7 : i32
    %dma_start3A_109 = arith.constant 7 : i32
    %dma_start3A_110 = arith.constant 0 : i32
    %dma_start3A_111 = arith.constant 0 : i32
    %dma_start3A_112 = tpu.memref_slice %arg6[%dma_start3A_108, %dma_start3A_110, %dma_start3A_111] : memref<10x128x32xf32, #tpu.memory_space<vmem>> -> memref<1x128x32xf32, #tpu.memory_space<vmem>>
    %dma_start3A_113 = tpu.memref_squeeze %dma_start3A_112 : memref<1x128x32xf32, #tpu.memory_space<vmem>> -> memref<128x32xf32, #tpu.memory_space<vmem>>
    %dma_start3A_114 = arith.constant 0 : i32
    %dma_start3A_115 = tpu.memref_slice %arg5[%dma_start3A_107, %dma_start3A_114] : memref<200x128xi32, #tpu.memory_space<vmem>> -> memref<1x128xi32, #tpu.memory_space<vmem>>
    %dma_start3A_116 = tpu.memref_squeeze %dma_start3A_115 : memref<1x128xi32, #tpu.memory_space<vmem>> -> memref<128xi32, #tpu.memory_space<vmem>>
    %dma_start3A_117 = arith.constant 0 : i32
    %dma_start3A_118 = arith.constant 0 : i32
    %dma_start3A_119 = tpu.memref_slice %arg3[%dma_start3A_117, %dma_start3A_118] : memref<1000000x32xf32, #tpu.memory_space<hbm>> -> memref<1000000x32xf32, #tpu.memory_space<hbm>>
    %dma_start3A_120 = tpu.memref_slice %arg7[%dma_start3A_109] : memref<10x!tpu.dma_semaphore, #tpu.memory_space<semaphore_mem>> -> memref<1x!tpu.dma_semaphore, #tpu.memory_space<semaphore_mem>>
    %dma_start3A_121 = tpu.memref_squeeze %dma_start3A_120 : memref<1x!tpu.dma_semaphore, #tpu.memory_space<semaphore_mem>> -> memref<!tpu.dma_semaphore, #tpu.memory_space<semaphore_mem>>
    tpu.enqueue_indirect_dma source(%dma_start3A_119 : memref<1000000x32xf32, #tpu.memory_space<hbm>>) target(%dma_start3A_113 : memref<128x32xf32, #tpu.memory_space<vmem>>) offsets(%dma_start3A_116 : memref<128xi32, #tpu.memory_space<vmem>>) semaphore(%dma_start3A_121 : memref<!tpu.dma_semaphore, #tpu.memory_space<semaphore_mem>>)
    %scan3A = arith.constant 0 : i32
    %scan3A_122 = arith.constant 20 : i32
    %scan3A_123 = arith.addi %scan3A, %scan3A_122 : i32
    %scan3A_124 = arith.constant 1 : i32
    scf.for %scan3A_325 = %scan3A to %scan3A_123 step %scan3A_124  : i32 {
      %mul3A_326 = arith.constant 10 : i32
      %mul3A_327 = arith.muli %scan3A_325, %mul3A_326 : i32
      %add3A_328 = arith.constant 0 : i32
      %add3A_329 = arith.addi %add3A_328, %mul3A_327 : i32
      %add3A_330 = arith.constant 0 : i32
      %add3A_331 = arith.addi %add3A_329, %add3A_330 : i32
      %dma_wait3A_332 = arith.constant 0 : i32
      %dma_wait3A_333 = arith.constant 0 : i32
      %dma_wait3A_334 = arith.constant 0 : i32
      %dma_wait3A_335 = arith.constant 0 : i32
      %dma_wait3A_336 = tpu.memref_slice %arg6[%dma_wait3A_332, %dma_wait3A_334, %dma_wait3A_335] : memref<10x128x32xf32, #tpu.memory_space<vmem>> -> memref<1x128x32xf32, #tpu.memory_space<vmem>>
      %dma_wait3A_337 = tpu.memref_squeeze %dma_wait3A_336 : memref<1x128x32xf32, #tpu.memory_space<vmem>> -> memref<128x32xf32, #tpu.memory_space<vmem>>
      %dma_wait3A_338 = arith.constant 0 : i32
      %dma_wait3A_339 = tpu.memref_slice %arg5[%add3A_331, %dma_wait3A_338] : memref<200x128xi32, #tpu.memory_space<vmem>> -> memref<1x128xi32, #tpu.memory_space<vmem>>
      %dma_wait3A_340 = tpu.memref_squeeze %dma_wait3A_339 : memref<1x128xi32, #tpu.memory_space<vmem>> -> memref<128xi32, #tpu.memory_space<vmem>>
      %dma_wait3A_341 = arith.constant 0 : i32
      %dma_wait3A_342 = arith.constant 0 : i32
      %dma_wait3A_343 = tpu.memref_slice %arg3[%dma_wait3A_341, %dma_wait3A_342] : memref<1000000x32xf32, #tpu.memory_space<hbm>> -> memref<1000000x32xf32, #tpu.memory_space<hbm>>
      %dma_wait3A_344 = tpu.memref_slice %arg7[%dma_wait3A_333] : memref<10x!tpu.dma_semaphore, #tpu.memory_space<semaphore_mem>> -> memref<1x!tpu.dma_semaphore, #tpu.memory_space<semaphore_mem>>
      %dma_wait3A_345 = tpu.memref_squeeze %dma_wait3A_344 : memref<1x!tpu.dma_semaphore, #tpu.memory_space<semaphore_mem>> -> memref<!tpu.dma_semaphore, #tpu.memory_space<semaphore_mem>>
      tpu.wait_indirect_dma semaphore(%dma_wait3A_345 : memref<!tpu.dma_semaphore, #tpu.memory_space<semaphore_mem>>) src(%dma_wait3A_343 : memref<1000000x32xf32, #tpu.memory_space<hbm>>) dst(%dma_wait3A_337 : memref<128x32xf32, #tpu.memory_space<vmem>>)
      %add3A_346 = arith.addi %mul3A_2, %add3A_331 : i32
      %mul3A_347 = arith.constant 128 : i32
      %mul3A_348 = arith.muli %add3A_346, %mul3A_347 : i32
      %dma_start3A_349 = arith.constant 0 : i32
      %dma_start3A_350 = arith.constant 0 : i32
      %dma_start3A_351 = arith.constant 0 : i32
      %dma_start3A_352 = arith.constant 0 : i32
      %dma_start3A_353 = tpu.memref_slice %arg6[%dma_start3A_349, %dma_start3A_351, %dma_start3A_352] : memref<10x128x32xf32, #tpu.memory_space<vmem>> -> memref<1x128x32xf32, #tpu.memory_space<vmem>>
      %dma_start3A_354 = tpu.memref_squeeze %dma_start3A_353 : memref<1x128x32xf32, #tpu.memory_space<vmem>> -> memref<128x32xf32, #tpu.memory_space<vmem>>
      %dma_start3A_355 = arith.constant 0 : i32
      %dma_start3A_356 = tpu.memref_slice %arg4[%mul3A_348, %dma_start3A_355] : memref<819200x32xf32, #tpu.memory_space<hbm>> -> memref<128x32xf32, #tpu.memory_space<hbm>>
      %dma_start3A_357 = tpu.memref_slice %arg8[%dma_start3A_350] : memref<10x!tpu.dma_semaphore, #tpu.memory_space<semaphore_mem>> -> memref<1x!tpu.dma_semaphore, #tpu.memory_space<semaphore_mem>>
      %dma_start3A_358 = tpu.memref_squeeze %dma_start3A_357 : memref<1x!tpu.dma_semaphore, #tpu.memory_space<semaphore_mem>> -> memref<!tpu.dma_semaphore, #tpu.memory_space<semaphore_mem>>
      %dma_start3A_359 = arith.constant 0 : i32
      %dma_start3A_360 = tpu.memref_slice %arg4[%mul3A_348, %dma_start3A_359] : memref<819200x32xf32, #tpu.memory_space<hbm>> -> memref<128x32xf32, #tpu.memory_space<hbm>>
      %dma_start3A_361 = arith.constant 0 : i32
      %dma_start3A_362 = arith.constant 0 : i32
      %dma_start3A_363 = tpu.memref_slice %arg6[%dma_start3A_349, %dma_start3A_361, %dma_start3A_362] : memref<10x128x32xf32, #tpu.memory_space<vmem>> -> memref<1x128x32xf32, #tpu.memory_space<vmem>>
      %dma_start3A_364 = tpu.memref_squeeze %dma_start3A_363 : memref<1x128x32xf32, #tpu.memory_space<vmem>> -> memref<128x32xf32, #tpu.memory_space<vmem>>
      tpu.enqueue_dma source(%dma_start3A_364 : memref<128x32xf32, #tpu.memory_space<vmem>>) target(%dma_start3A_360 : memref<128x32xf32, #tpu.memory_space<hbm>>) target_semaphore(%dma_start3A_358 : memref<!tpu.dma_semaphore, #tpu.memory_space<semaphore_mem>>)
      %add3A_365 = arith.constant 8 : i32
      %add3A_366 = arith.addi %add3A_331, %add3A_365 : i32
      %lt3A = arith.constant 200 : i32
      %lt3A_367 = arith.cmpi slt, %add3A_366, %lt3A : i32
      %ge3A = arith.constant 10 : i32
      %ge3A_368 = arith.cmpi sge, %add3A_366, %ge3A : i32
      %and3A = arith.andi %lt3A_367, %ge3A_368 : i1
      %convert_element_type3A = arith.extui %and3A : i1 to i32
      %cond3A = arith.constant 0 : i32
      %cond3A_369 = arith.cmpi ne, %convert_element_type3A, %cond3A : i32
      scf.if %cond3A_369 {
        %sub3A = arith.constant 10 : i32
        %sub3A_825 = arith.subi %add3A_366, %sub3A : i32
        %add3A_826 = arith.addi %mul3A_2, %sub3A_825 : i32
        %mul3A_827 = arith.constant 128 : i32
        %mul3A_828 = arith.muli %add3A_826, %mul3A_827 : i32
        %dma_wait3A_829 = arith.constant 8 : i32
        %dma_wait3A_830 = arith.constant 8 : i32
        %dma_wait3A_831 = arith.constant 0 : i32
        %dma_wait3A_832 = arith.constant 0 : i32
        %dma_wait3A_833 = tpu.memref_slice %arg6[%dma_wait3A_829, %dma_wait3A_831, %dma_wait3A_832] : memref<10x128x32xf32, #tpu.memory_space<vmem>> -> memref<1x128x32xf32, #tpu.memory_space<vmem>>
        %dma_wait3A_834 = tpu.memref_squeeze %dma_wait3A_833 : memref<1x128x32xf32, #tpu.memory_space<vmem>> -> memref<128x32xf32, #tpu.memory_space<vmem>>
        %dma_wait3A_835 = arith.constant 0 : i32
        %dma_wait3A_836 = tpu.memref_slice %arg4[%mul3A_828, %dma_wait3A_835] : memref<819200x32xf32, #tpu.memory_space<hbm>> -> memref<128x32xf32, #tpu.memory_space<hbm>>
        %dma_wait3A_837 = tpu.memref_slice %arg8[%dma_wait3A_830] : memref<10x!tpu.dma_semaphore, #tpu.memory_space<semaphore_mem>> -> memref<1x!tpu.dma_semaphore, #tpu.memory_space<semaphore_mem>>
        %dma_wait3A_838 = tpu.memref_squeeze %dma_wait3A_837 : memref<1x!tpu.dma_semaphore, #tpu.memory_space<semaphore_mem>> -> memref<!tpu.dma_semaphore, #tpu.memory_space<semaphore_mem>>
        %dma_wait3A_839 = arith.constant 0 : i32
        %dma_wait3A_840 = tpu.memref_slice %arg4[%mul3A_828, %dma_wait3A_839] : memref<819200x32xf32, #tpu.memory_space<hbm>> -> memref<128x32xf32, #tpu.memory_space<hbm>>
        %dma_wait3A_841 = arith.constant 0 : i32
        %dma_wait3A_842 = arith.constant 0 : i32
        %dma_wait3A_843 = tpu.memref_slice %arg6[%dma_wait3A_829, %dma_wait3A_841, %dma_wait3A_842] : memref<10x128x32xf32, #tpu.memory_space<vmem>> -> memref<1x128x32xf32, #tpu.memory_space<vmem>>
        %dma_wait3A_844 = tpu.memref_squeeze %dma_wait3A_843 : memref<1x128x32xf32, #tpu.memory_space<vmem>> -> memref<128x32xf32, #tpu.memory_space<vmem>>
        tpu.wait_dma2 semaphore(%dma_wait3A_838 : memref<!tpu.dma_semaphore, #tpu.memory_space<semaphore_mem>>) src(%dma_wait3A_844 : memref<128x32xf32, #tpu.memory_space<vmem>>) dst(%dma_wait3A_840 : memref<128x32xf32, #tpu.memory_space<hbm>>)
      } else {
      }
      %lt3A_370 = arith.constant 200 : i32
      %lt3A_371 = arith.cmpi slt, %add3A_366, %lt3A_370 : i32
      %convert_element_type3A_372 = arith.extui %lt3A_371 : i1 to i32
      %cond3A_373 = arith.constant 0 : i32
      %cond3A_374 = arith.cmpi ne, %convert_element_type3A_372, %cond3A_373 : i32
      scf.if %cond3A_374 {
        %dma_start3A_825 = arith.constant 8 : i32
        %dma_start3A_826 = arith.constant 8 : i32
        %dma_start3A_827 = arith.constant 0 : i32
        %dma_start3A_828 = arith.constant 0 : i32
        %dma_start3A_829 = tpu.memref_slice %arg6[%dma_start3A_825, %dma_start3A_827, %dma_start3A_828] : memref<10x128x32xf32, #tpu.memory_space<vmem>> -> memref<1x128x32xf32, #tpu.memory_space<vmem>>
        %dma_start3A_830 = tpu.memref_squeeze %dma_start3A_829 : memref<1x128x32xf32, #tpu.memory_space<vmem>> -> memref<128x32xf32, #tpu.memory_space<vmem>>
        %dma_start3A_831 = arith.constant 0 : i32
        %dma_start3A_832 = tpu.memref_slice %arg5[%add3A_366, %dma_start3A_831] : memref<200x128xi32, #tpu.memory_space<vmem>> -> memref<1x128xi32, #tpu.memory_space<vmem>>
        %dma_start3A_833 = tpu.memref_squeeze %dma_start3A_832 : memref<1x128xi32, #tpu.memory_space<vmem>> -> memref<128xi32, #tpu.memory_space<vmem>>
        %dma_start3A_834 = arith.constant 0 : i32
        %dma_start3A_835 = arith.constant 0 : i32
        %dma_start3A_836 = tpu.memref_slice %arg3[%dma_start3A_834, %dma_start3A_835] : memref<1000000x32xf32, #tpu.memory_space<hbm>> -> memref<1000000x32xf32, #tpu.memory_space<hbm>>
        %dma_start3A_837 = tpu.memref_slice %arg7[%dma_start3A_826] : memref<10x!tpu.dma_semaphore, #tpu.memory_space<semaphore_mem>> -> memref<1x!tpu.dma_semaphore, #tpu.memory_space<semaphore_mem>>
        %dma_start3A_838 = tpu.memref_squeeze %dma_start3A_837 : memref<1x!tpu.dma_semaphore, #tpu.memory_space<semaphore_mem>> -> memref<!tpu.dma_semaphore, #tpu.memory_space<semaphore_mem>>
        tpu.enqueue_indirect_dma source(%dma_start3A_836 : memref<1000000x32xf32, #tpu.memory_space<hbm>>) target(%dma_start3A_830 : memref<128x32xf32, #tpu.memory_space<vmem>>) offsets(%dma_start3A_833 : memref<128xi32, #tpu.memory_space<vmem>>) semaphore(%dma_start3A_838 : memref<!tpu.dma_semaphore, #tpu.memory_space<semaphore_mem>>)
      } else {
      }
      %add3A_375 = arith.constant 1 : i32
      %add3A_376 = arith.addi %add3A_329, %add3A_375 : i32
      %dma_wait3A_377 = arith.constant 1 : i32
      %dma_wait3A_378 = arith.constant 1 : i32
      %dma_wait3A_379 = arith.constant 0 : i32
      %dma_wait3A_380 = arith.constant 0 : i32
      %dma_wait3A_381 = tpu.memref_slice %arg6[%dma_wait3A_377, %dma_wait3A_379, %dma_wait3A_380] : memref<10x128x32xf32, #tpu.memory_space<vmem>> -> memref<1x128x32xf32, #tpu.memory_space<vmem>>
      %dma_wait3A_382 = tpu.memref_squeeze %dma_wait3A_381 : memref<1x128x32xf32, #tpu.memory_space<vmem>> -> memref<128x32xf32, #tpu.memory_space<vmem>>
      %dma_wait3A_383 = arith.constant 0 : i32
      %dma_wait3A_384 = tpu.memref_slice %arg5[%add3A_376, %dma_wait3A_383] : memref<200x128xi32, #tpu.memory_space<vmem>> -> memref<1x128xi32, #tpu.memory_space<vmem>>
      %dma_wait3A_385 = tpu.memref_squeeze %dma_wait3A_384 : memref<1x128xi32, #tpu.memory_space<vmem>> -> memref<128xi32, #tpu.memory_space<vmem>>
      %dma_wait3A_386 = arith.constant 0 : i32
      %dma_wait3A_387 = arith.constant 0 : i32
      %dma_wait3A_388 = tpu.memref_slice %arg3[%dma_wait3A_386, %dma_wait3A_387] : memref<1000000x32xf32, #tpu.memory_space<hbm>> -> memref<1000000x32xf32, #tpu.memory_space<hbm>>
      %dma_wait3A_389 = tpu.memref_slice %arg7[%dma_wait3A_378] : memref<10x!tpu.dma_semaphore, #tpu.memory_space<semaphore_mem>> -> memref<1x!tpu.dma_semaphore, #tpu.memory_space<semaphore_mem>>
      %dma_wait3A_390 = tpu.memref_squeeze %dma_wait3A_389 : memref<1x!tpu.dma_semaphore, #tpu.memory_space<semaphore_mem>> -> memref<!tpu.dma_semaphore, #tpu.memory_space<semaphore_mem>>
      tpu.wait_indirect_dma semaphore(%dma_wait3A_390 : memref<!tpu.dma_semaphore, #tpu.memory_space<semaphore_mem>>) src(%dma_wait3A_388 : memref<1000000x32xf32, #tpu.memory_space<hbm>>) dst(%dma_wait3A_382 : memref<128x32xf32, #tpu.memory_space<vmem>>)
      %add3A_391 = arith.addi %mul3A_2, %add3A_376 : i32
      %mul3A_392 = arith.constant 128 : i32
      %mul3A_393 = arith.muli %add3A_391, %mul3A_392 : i32
      %dma_start3A_394 = arith.constant 1 : i32
      %dma_start3A_395 = arith.constant 1 : i32
      %dma_start3A_396 = arith.constant 0 : i32
      %dma_start3A_397 = arith.constant 0 : i32
      %dma_start3A_398 = tpu.memref_slice %arg6[%dma_start3A_394, %dma_start3A_396, %dma_start3A_397] : memref<10x128x32xf32, #tpu.memory_space<vmem>> -> memref<1x128x32xf32, #tpu.memory_space<vmem>>
      %dma_start3A_399 = tpu.memref_squeeze %dma_start3A_398 : memref<1x128x32xf32, #tpu.memory_space<vmem>> -> memref<128x32xf32, #tpu.memory_space<vmem>>
      %dma_start3A_400 = arith.constant 0 : i32
      %dma_start3A_401 = tpu.memref_slice %arg4[%mul3A_393, %dma_start3A_400] : memref<819200x32xf32, #tpu.memory_space<hbm>> -> memref<128x32xf32, #tpu.memory_space<hbm>>
      %dma_start3A_402 = tpu.memref_slice %arg8[%dma_start3A_395] : memref<10x!tpu.dma_semaphore, #tpu.memory_space<semaphore_mem>> -> memref<1x!tpu.dma_semaphore, #tpu.memory_space<semaphore_mem>>
      %dma_start3A_403 = tpu.memref_squeeze %dma_start3A_402 : memref<1x!tpu.dma_semaphore, #tpu.memory_space<semaphore_mem>> -> memref<!tpu.dma_semaphore, #tpu.memory_space<semaphore_mem>>
      %dma_start3A_404 = arith.constant 0 : i32
      %dma_start3A_405 = tpu.memref_slice %arg4[%mul3A_393, %dma_start3A_404] : memref<819200x32xf32, #tpu.memory_space<hbm>> -> memref<128x32xf32, #tpu.memory_space<hbm>>
      %dma_start3A_406 = arith.constant 0 : i32
      %dma_start3A_407 = arith.constant 0 : i32
      %dma_start3A_408 = tpu.memref_slice %arg6[%dma_start3A_394, %dma_start3A_406, %dma_start3A_407] : memref<10x128x32xf32, #tpu.memory_space<vmem>> -> memref<1x128x32xf32, #tpu.memory_space<vmem>>
      %dma_start3A_409 = tpu.memref_squeeze %dma_start3A_408 : memref<1x128x32xf32, #tpu.memory_space<vmem>> -> memref<128x32xf32, #tpu.memory_space<vmem>>
      tpu.enqueue_dma source(%dma_start3A_409 : memref<128x32xf32, #tpu.memory_space<vmem>>) target(%dma_start3A_405 : memref<128x32xf32, #tpu.memory_space<hbm>>) target_semaphore(%dma_start3A_403 : memref<!tpu.dma_semaphore, #tpu.memory_space<semaphore_mem>>)
      %add3A_410 = arith.constant 8 : i32
      %add3A_411 = arith.addi %add3A_376, %add3A_410 : i32
      %lt3A_412 = arith.constant 200 : i32
      %lt3A_413 = arith.cmpi slt, %add3A_411, %lt3A_412 : i32
      %ge3A_414 = arith.constant 10 : i32
      %ge3A_415 = arith.cmpi sge, %add3A_411, %ge3A_414 : i32
      %and3A_416 = arith.andi %lt3A_413, %ge3A_415 : i1
      %convert_element_type3A_417 = arith.extui %and3A_416 : i1 to i32
      %cond3A_418 = arith.constant 0 : i32
      %cond3A_419 = arith.cmpi ne, %convert_element_type3A_417, %cond3A_418 : i32
      scf.if %cond3A_419 {
        %sub3A = arith.constant 10 : i32
        %sub3A_825 = arith.subi %add3A_411, %sub3A : i32
        %add3A_826 = arith.addi %mul3A_2, %sub3A_825 : i32
        %mul3A_827 = arith.constant 128 : i32
        %mul3A_828 = arith.muli %add3A_826, %mul3A_827 : i32
        %dma_wait3A_829 = arith.constant 9 : i32
        %dma_wait3A_830 = arith.constant 9 : i32
        %dma_wait3A_831 = arith.constant 0 : i32
        %dma_wait3A_832 = arith.constant 0 : i32
        %dma_wait3A_833 = tpu.memref_slice %arg6[%dma_wait3A_829, %dma_wait3A_831, %dma_wait3A_832] : memref<10x128x32xf32, #tpu.memory_space<vmem>> -> memref<1x128x32xf32, #tpu.memory_space<vmem>>
        %dma_wait3A_834 = tpu.memref_squeeze %dma_wait3A_833 : memref<1x128x32xf32, #tpu.memory_space<vmem>> -> memref<128x32xf32, #tpu.memory_space<vmem>>
        %dma_wait3A_835 = arith.constant 0 : i32
        %dma_wait3A_836 = tpu.memref_slice %arg4[%mul3A_828, %dma_wait3A_835] : memref<819200x32xf32, #tpu.memory_space<hbm>> -> memref<128x32xf32, #tpu.memory_space<hbm>>
        %dma_wait3A_837 = tpu.memref_slice %arg8[%dma_wait3A_830] : memref<10x!tpu.dma_semaphore, #tpu.memory_space<semaphore_mem>> -> memref<1x!tpu.dma_semaphore, #tpu.memory_space<semaphore_mem>>
        %dma_wait3A_838 = tpu.memref_squeeze %dma_wait3A_837 : memref<1x!tpu.dma_semaphore, #tpu.memory_space<semaphore_mem>> -> memref<!tpu.dma_semaphore, #tpu.memory_space<semaphore_mem>>
        %dma_wait3A_839 = arith.constant 0 : i32
        %dma_wait3A_840 = tpu.memref_slice %arg4[%mul3A_828, %dma_wait3A_839] : memref<819200x32xf32, #tpu.memory_space<hbm>> -> memref<128x32xf32, #tpu.memory_space<hbm>>
        %dma_wait3A_841 = arith.constant 0 : i32
        %dma_wait3A_842 = arith.constant 0 : i32
        %dma_wait3A_843 = tpu.memref_slice %arg6[%dma_wait3A_829, %dma_wait3A_841, %dma_wait3A_842] : memref<10x128x32xf32, #tpu.memory_space<vmem>> -> memref<1x128x32xf32, #tpu.memory_space<vmem>>
        %dma_wait3A_844 = tpu.memref_squeeze %dma_wait3A_843 : memref<1x128x32xf32, #tpu.memory_space<vmem>> -> memref<128x32xf32, #tpu.memory_space<vmem>>
        tpu.wait_dma2 semaphore(%dma_wait3A_838 : memref<!tpu.dma_semaphore, #tpu.memory_space<semaphore_mem>>) src(%dma_wait3A_844 : memref<128x32xf32, #tpu.memory_space<vmem>>) dst(%dma_wait3A_840 : memref<128x32xf32, #tpu.memory_space<hbm>>)
      } else {
      }
      %lt3A_420 = arith.constant 200 : i32
      %lt3A_421 = arith.cmpi slt, %add3A_411, %lt3A_420 : i32
      %convert_element_type3A_422 = arith.extui %lt3A_421 : i1 to i32
      %cond3A_423 = arith.constant 0 : i32
      %cond3A_424 = arith.cmpi ne, %convert_element_type3A_422, %cond3A_423 : i32
      scf.if %cond3A_424 {
        %dma_start3A_825 = arith.constant 9 : i32
        %dma_start3A_826 = arith.constant 9 : i32
        %dma_start3A_827 = arith.constant 0 : i32
        %dma_start3A_828 = arith.constant 0 : i32
        %dma_start3A_829 = tpu.memref_slice %arg6[%dma_start3A_825, %dma_start3A_827, %dma_start3A_828] : memref<10x128x32xf32, #tpu.memory_space<vmem>> -> memref<1x128x32xf32, #tpu.memory_space<vmem>>
        %dma_start3A_830 = tpu.memref_squeeze %dma_start3A_829 : memref<1x128x32xf32, #tpu.memory_space<vmem>> -> memref<128x32xf32, #tpu.memory_space<vmem>>
        %dma_start3A_831 = arith.constant 0 : i32
        %dma_start3A_832 = tpu.memref_slice %arg5[%add3A_411, %dma_start3A_831] : memref<200x128xi32, #tpu.memory_space<vmem>> -> memref<1x128xi32, #tpu.memory_space<vmem>>
        %dma_start3A_833 = tpu.memref_squeeze %dma_start3A_832 : memref<1x128xi32, #tpu.memory_space<vmem>> -> memref<128xi32, #tpu.memory_space<vmem>>
        %dma_start3A_834 = arith.constant 0 : i32
        %dma_start3A_835 = arith.constant 0 : i32
        %dma_start3A_836 = tpu.memref_slice %arg3[%dma_start3A_834, %dma_start3A_835] : memref<1000000x32xf32, #tpu.memory_space<hbm>> -> memref<1000000x32xf32, #tpu.memory_space<hbm>>
        %dma_start3A_837 = tpu.memref_slice %arg7[%dma_start3A_826] : memref<10x!tpu.dma_semaphore, #tpu.memory_space<semaphore_mem>> -> memref<1x!tpu.dma_semaphore, #tpu.memory_space<semaphore_mem>>
        %dma_start3A_838 = tpu.memref_squeeze %dma_start3A_837 : memref<1x!tpu.dma_semaphore, #tpu.memory_space<semaphore_mem>> -> memref<!tpu.dma_semaphore, #tpu.memory_space<semaphore_mem>>
        tpu.enqueue_indirect_dma source(%dma_start3A_836 : memref<1000000x32xf32, #tpu.memory_space<hbm>>) target(%dma_start3A_830 : memref<128x32xf32, #tpu.memory_space<vmem>>) offsets(%dma_start3A_833 : memref<128xi32, #tpu.memory_space<vmem>>) semaphore(%dma_start3A_838 : memref<!tpu.dma_semaphore, #tpu.memory_space<semaphore_mem>>)
      } else {
      }
      %add3A_425 = arith.constant 2 : i32
      %add3A_426 = arith.addi %add3A_329, %add3A_425 : i32
      %dma_wait3A_427 = arith.constant 2 : i32
      %dma_wait3A_428 = arith.constant 2 : i32
      %dma_wait3A_429 = arith.constant 0 : i32
      %dma_wait3A_430 = arith.constant 0 : i32
      %dma_wait3A_431 = tpu.memref_slice %arg6[%dma_wait3A_427, %dma_wait3A_429, %dma_wait3A_430] : memref<10x128x32xf32, #tpu.memory_space<vmem>> -> memref<1x128x32xf32, #tpu.memory_space<vmem>>
      %dma_wait3A_432 = tpu.memref_squeeze %dma_wait3A_431 : memref<1x128x32xf32, #tpu.memory_space<vmem>> -> memref<128x32xf32, #tpu.memory_space<vmem>>
      %dma_wait3A_433 = arith.constant 0 : i32
      %dma_wait3A_434 = tpu.memref_slice %arg5[%add3A_426, %dma_wait3A_433] : memref<200x128xi32, #tpu.memory_space<vmem>> -> memref<1x128xi32, #tpu.memory_space<vmem>>
      %dma_wait3A_435 = tpu.memref_squeeze %dma_wait3A_434 : memref<1x128xi32, #tpu.memory_space<vmem>> -> memref<128xi32, #tpu.memory_space<vmem>>
      %dma_wait3A_436 = arith.constant 0 : i32
      %dma_wait3A_437 = arith.constant 0 : i32
      %dma_wait3A_438 = tpu.memref_slice %arg3[%dma_wait3A_436, %dma_wait3A_437] : memref<1000000x32xf32, #tpu.memory_space<hbm>> -> memref<1000000x32xf32, #tpu.memory_space<hbm>>
      %dma_wait3A_439 = tpu.memref_slice %arg7[%dma_wait3A_428] : memref<10x!tpu.dma_semaphore, #tpu.memory_space<semaphore_mem>> -> memref<1x!tpu.dma_semaphore, #tpu.memory_space<semaphore_mem>>
      %dma_wait3A_440 = tpu.memref_squeeze %dma_wait3A_439 : memref<1x!tpu.dma_semaphore, #tpu.memory_space<semaphore_mem>> -> memref<!tpu.dma_semaphore, #tpu.memory_space<semaphore_mem>>
      tpu.wait_indirect_dma semaphore(%dma_wait3A_440 : memref<!tpu.dma_semaphore, #tpu.memory_space<semaphore_mem>>) src(%dma_wait3A_438 : memref<1000000x32xf32, #tpu.memory_space<hbm>>) dst(%dma_wait3A_432 : memref<128x32xf32, #tpu.memory_space<vmem>>)
      %add3A_441 = arith.addi %mul3A_2, %add3A_426 : i32
      %mul3A_442 = arith.constant 128 : i32
      %mul3A_443 = arith.muli %add3A_441, %mul3A_442 : i32
      %dma_start3A_444 = arith.constant 2 : i32
      %dma_start3A_445 = arith.constant 2 : i32
      %dma_start3A_446 = arith.constant 0 : i32
      %dma_start3A_447 = arith.constant 0 : i32
      %dma_start3A_448 = tpu.memref_slice %arg6[%dma_start3A_444, %dma_start3A_446, %dma_start3A_447] : memref<10x128x32xf32, #tpu.memory_space<vmem>> -> memref<1x128x32xf32, #tpu.memory_space<vmem>>
      %dma_start3A_449 = tpu.memref_squeeze %dma_start3A_448 : memref<1x128x32xf32, #tpu.memory_space<vmem>> -> memref<128x32xf32, #tpu.memory_space<vmem>>
      %dma_start3A_450 = arith.constant 0 : i32
      %dma_start3A_451 = tpu.memref_slice %arg4[%mul3A_443, %dma_start3A_450] : memref<819200x32xf32, #tpu.memory_space<hbm>> -> memref<128x32xf32, #tpu.memory_space<hbm>>
      %dma_start3A_452 = tpu.memref_slice %arg8[%dma_start3A_445] : memref<10x!tpu.dma_semaphore, #tpu.memory_space<semaphore_mem>> -> memref<1x!tpu.dma_semaphore, #tpu.memory_space<semaphore_mem>>
      %dma_start3A_453 = tpu.memref_squeeze %dma_start3A_452 : memref<1x!tpu.dma_semaphore, #tpu.memory_space<semaphore_mem>> -> memref<!tpu.dma_semaphore, #tpu.memory_space<semaphore_mem>>
      %dma_start3A_454 = arith.constant 0 : i32
      %dma_start3A_455 = tpu.memref_slice %arg4[%mul3A_443, %dma_start3A_454] : memref<819200x32xf32, #tpu.memory_space<hbm>> -> memref<128x32xf32, #tpu.memory_space<hbm>>
      %dma_start3A_456 = arith.constant 0 : i32
      %dma_start3A_457 = arith.constant 0 : i32
      %dma_start3A_458 = tpu.memref_slice %arg6[%dma_start3A_444, %dma_start3A_456, %dma_start3A_457] : memref<10x128x32xf32, #tpu.memory_space<vmem>> -> memref<1x128x32xf32, #tpu.memory_space<vmem>>
      %dma_start3A_459 = tpu.memref_squeeze %dma_start3A_458 : memref<1x128x32xf32, #tpu.memory_space<vmem>> -> memref<128x32xf32, #tpu.memory_space<vmem>>
      tpu.enqueue_dma source(%dma_start3A_459 : memref<128x32xf32, #tpu.memory_space<vmem>>) target(%dma_start3A_455 : memref<128x32xf32, #tpu.memory_space<hbm>>) target_semaphore(%dma_start3A_453 : memref<!tpu.dma_semaphore, #tpu.memory_space<semaphore_mem>>)
      %add3A_460 = arith.constant 8 : i32
      %add3A_461 = arith.addi %add3A_426, %add3A_460 : i32
      %lt3A_462 = arith.constant 200 : i32
      %lt3A_463 = arith.cmpi slt, %add3A_461, %lt3A_462 : i32
      %ge3A_464 = arith.constant 10 : i32
      %ge3A_465 = arith.cmpi sge, %add3A_461, %ge3A_464 : i32
      %and3A_466 = arith.andi %lt3A_463, %ge3A_465 : i1
      %convert_element_type3A_467 = arith.extui %and3A_466 : i1 to i32
      %cond3A_468 = arith.constant 0 : i32
      %cond3A_469 = arith.cmpi ne, %convert_element_type3A_467, %cond3A_468 : i32
      scf.if %cond3A_469 {
        %sub3A = arith.constant 10 : i32
        %sub3A_825 = arith.subi %add3A_461, %sub3A : i32
        %add3A_826 = arith.addi %mul3A_2, %sub3A_825 : i32
        %mul3A_827 = arith.constant 128 : i32
        %mul3A_828 = arith.muli %add3A_826, %mul3A_827 : i32
        %dma_wait3A_829 = arith.constant 0 : i32
        %dma_wait3A_830 = arith.constant 0 : i32
        %dma_wait3A_831 = arith.constant 0 : i32
        %dma_wait3A_832 = arith.constant 0 : i32
        %dma_wait3A_833 = tpu.memref_slice %arg6[%dma_wait3A_829, %dma_wait3A_831, %dma_wait3A_832] : memref<10x128x32xf32, #tpu.memory_space<vmem>> -> memref<1x128x32xf32, #tpu.memory_space<vmem>>
        %dma_wait3A_834 = tpu.memref_squeeze %dma_wait3A_833 : memref<1x128x32xf32, #tpu.memory_space<vmem>> -> memref<128x32xf32, #tpu.memory_space<vmem>>
        %dma_wait3A_835 = arith.constant 0 : i32
        %dma_wait3A_836 = tpu.memref_slice %arg4[%mul3A_828, %dma_wait3A_835] : memref<819200x32xf32, #tpu.memory_space<hbm>> -> memref<128x32xf32, #tpu.memory_space<hbm>>
        %dma_wait3A_837 = tpu.memref_slice %arg8[%dma_wait3A_830] : memref<10x!tpu.dma_semaphore, #tpu.memory_space<semaphore_mem>> -> memref<1x!tpu.dma_semaphore, #tpu.memory_space<semaphore_mem>>
        %dma_wait3A_838 = tpu.memref_squeeze %dma_wait3A_837 : memref<1x!tpu.dma_semaphore, #tpu.memory_space<semaphore_mem>> -> memref<!tpu.dma_semaphore, #tpu.memory_space<semaphore_mem>>
        %dma_wait3A_839 = arith.constant 0 : i32
        %dma_wait3A_840 = tpu.memref_slice %arg4[%mul3A_828, %dma_wait3A_839] : memref<819200x32xf32, #tpu.memory_space<hbm>> -> memref<128x32xf32, #tpu.memory_space<hbm>>
        %dma_wait3A_841 = arith.constant 0 : i32
        %dma_wait3A_842 = arith.constant 0 : i32
        %dma_wait3A_843 = tpu.memref_slice %arg6[%dma_wait3A_829, %dma_wait3A_841, %dma_wait3A_842] : memref<10x128x32xf32, #tpu.memory_space<vmem>> -> memref<1x128x32xf32, #tpu.memory_space<vmem>>
        %dma_wait3A_844 = tpu.memref_squeeze %dma_wait3A_843 : memref<1x128x32xf32, #tpu.memory_space<vmem>> -> memref<128x32xf32, #tpu.memory_space<vmem>>
        tpu.wait_dma2 semaphore(%dma_wait3A_838 : memref<!tpu.dma_semaphore, #tpu.memory_space<semaphore_mem>>) src(%dma_wait3A_844 : memref<128x32xf32, #tpu.memory_space<vmem>>) dst(%dma_wait3A_840 : memref<128x32xf32, #tpu.memory_space<hbm>>)
      } else {
      }
      %lt3A_470 = arith.constant 200 : i32
      %lt3A_471 = arith.cmpi slt, %add3A_461, %lt3A_470 : i32
      %convert_element_type3A_472 = arith.extui %lt3A_471 : i1 to i32
      %cond3A_473 = arith.constant 0 : i32
      %cond3A_474 = arith.cmpi ne, %convert_element_type3A_472, %cond3A_473 : i32
      scf.if %cond3A_474 {
        %dma_start3A_825 = arith.constant 0 : i32
        %dma_start3A_826 = arith.constant 0 : i32
        %dma_start3A_827 = arith.constant 0 : i32
        %dma_start3A_828 = arith.constant 0 : i32
        %dma_start3A_829 = tpu.memref_slice %arg6[%dma_start3A_825, %dma_start3A_827, %dma_start3A_828] : memref<10x128x32xf32, #tpu.memory_space<vmem>> -> memref<1x128x32xf32, #tpu.memory_space<vmem>>
        %dma_start3A_830 = tpu.memref_squeeze %dma_start3A_829 : memref<1x128x32xf32, #tpu.memory_space<vmem>> -> memref<128x32xf32, #tpu.memory_space<vmem>>
        %dma_start3A_831 = arith.constant 0 : i32
        %dma_start3A_832 = tpu.memref_slice %arg5[%add3A_461, %dma_start3A_831] : memref<200x128xi32, #tpu.memory_space<vmem>> -> memref<1x128xi32, #tpu.memory_space<vmem>>
        %dma_start3A_833 = tpu.memref_squeeze %dma_start3A_832 : memref<1x128xi32, #tpu.memory_space<vmem>> -> memref<128xi32, #tpu.memory_space<vmem>>
        %dma_start3A_834 = arith.constant 0 : i32
        %dma_start3A_835 = arith.constant 0 : i32
        %dma_start3A_836 = tpu.memref_slice %arg3[%dma_start3A_834, %dma_start3A_835] : memref<1000000x32xf32, #tpu.memory_space<hbm>> -> memref<1000000x32xf32, #tpu.memory_space<hbm>>
        %dma_start3A_837 = tpu.memref_slice %arg7[%dma_start3A_826] : memref<10x!tpu.dma_semaphore, #tpu.memory_space<semaphore_mem>> -> memref<1x!tpu.dma_semaphore, #tpu.memory_space<semaphore_mem>>
        %dma_start3A_838 = tpu.memref_squeeze %dma_start3A_837 : memref<1x!tpu.dma_semaphore, #tpu.memory_space<semaphore_mem>> -> memref<!tpu.dma_semaphore, #tpu.memory_space<semaphore_mem>>
        tpu.enqueue_indirect_dma source(%dma_start3A_836 : memref<1000000x32xf32, #tpu.memory_space<hbm>>) target(%dma_start3A_830 : memref<128x32xf32, #tpu.memory_space<vmem>>) offsets(%dma_start3A_833 : memref<128xi32, #tpu.memory_space<vmem>>) semaphore(%dma_start3A_838 : memref<!tpu.dma_semaphore, #tpu.memory_space<semaphore_mem>>)
      } else {
      }
      %add3A_475 = arith.constant 3 : i32
      %add3A_476 = arith.addi %add3A_329, %add3A_475 : i32
      %dma_wait3A_477 = arith.constant 3 : i32
      %dma_wait3A_478 = arith.constant 3 : i32
      %dma_wait3A_479 = arith.constant 0 : i32
      %dma_wait3A_480 = arith.constant 0 : i32
      %dma_wait3A_481 = tpu.memref_slice %arg6[%dma_wait3A_477, %dma_wait3A_479, %dma_wait3A_480] : memref<10x128x32xf32, #tpu.memory_space<vmem>> -> memref<1x128x32xf32, #tpu.memory_space<vmem>>
      %dma_wait3A_482 = tpu.memref_squeeze %dma_wait3A_481 : memref<1x128x32xf32, #tpu.memory_space<vmem>> -> memref<128x32xf32, #tpu.memory_space<vmem>>
      %dma_wait3A_483 = arith.constant 0 : i32
      %dma_wait3A_484 = tpu.memref_slice %arg5[%add3A_476, %dma_wait3A_483] : memref<200x128xi32, #tpu.memory_space<vmem>> -> memref<1x128xi32, #tpu.memory_space<vmem>>
      %dma_wait3A_485 = tpu.memref_squeeze %dma_wait3A_484 : memref<1x128xi32, #tpu.memory_space<vmem>> -> memref<128xi32, #tpu.memory_space<vmem>>
      %dma_wait3A_486 = arith.constant 0 : i32
      %dma_wait3A_487 = arith.constant 0 : i32
      %dma_wait3A_488 = tpu.memref_slice %arg3[%dma_wait3A_486, %dma_wait3A_487] : memref<1000000x32xf32, #tpu.memory_space<hbm>> -> memref<1000000x32xf32, #tpu.memory_space<hbm>>
      %dma_wait3A_489 = tpu.memref_slice %arg7[%dma_wait3A_478] : memref<10x!tpu.dma_semaphore, #tpu.memory_space<semaphore_mem>> -> memref<1x!tpu.dma_semaphore, #tpu.memory_space<semaphore_mem>>
      %dma_wait3A_490 = tpu.memref_squeeze %dma_wait3A_489 : memref<1x!tpu.dma_semaphore, #tpu.memory_space<semaphore_mem>> -> memref<!tpu.dma_semaphore, #tpu.memory_space<semaphore_mem>>
      tpu.wait_indirect_dma semaphore(%dma_wait3A_490 : memref<!tpu.dma_semaphore, #tpu.memory_space<semaphore_mem>>) src(%dma_wait3A_488 : memref<1000000x32xf32, #tpu.memory_space<hbm>>) dst(%dma_wait3A_482 : memref<128x32xf32, #tpu.memory_space<vmem>>)
      %add3A_491 = arith.addi %mul3A_2, %add3A_476 : i32
      %mul3A_492 = arith.constant 128 : i32
      %mul3A_493 = arith.muli %add3A_491, %mul3A_492 : i32
      %dma_start3A_494 = arith.constant 3 : i32
      %dma_start3A_495 = arith.constant 3 : i32
      %dma_start3A_496 = arith.constant 0 : i32
      %dma_start3A_497 = arith.constant 0 : i32
      %dma_start3A_498 = tpu.memref_slice %arg6[%dma_start3A_494, %dma_start3A_496, %dma_start3A_497] : memref<10x128x32xf32, #tpu.memory_space<vmem>> -> memref<1x128x32xf32, #tpu.memory_space<vmem>>
      %dma_start3A_499 = tpu.memref_squeeze %dma_start3A_498 : memref<1x128x32xf32, #tpu.memory_space<vmem>> -> memref<128x32xf32, #tpu.memory_space<vmem>>
      %dma_start3A_500 = arith.constant 0 : i32
      %dma_start3A_501 = tpu.memref_slice %arg4[%mul3A_493, %dma_start3A_500] : memref<819200x32xf32, #tpu.memory_space<hbm>> -> memref<128x32xf32, #tpu.memory_space<hbm>>
      %dma_start3A_502 = tpu.memref_slice %arg8[%dma_start3A_495] : memref<10x!tpu.dma_semaphore, #tpu.memory_space<semaphore_mem>> -> memref<1x!tpu.dma_semaphore, #tpu.memory_space<semaphore_mem>>
      %dma_start3A_503 = tpu.memref_squeeze %dma_start3A_502 : memref<1x!tpu.dma_semaphore, #tpu.memory_space<semaphore_mem>> -> memref<!tpu.dma_semaphore, #tpu.memory_space<semaphore_mem>>
      %dma_start3A_504 = arith.constant 0 : i32
      %dma_start3A_505 = tpu.memref_slice %arg4[%mul3A_493, %dma_start3A_504] : memref<819200x32xf32, #tpu.memory_space<hbm>> -> memref<128x32xf32, #tpu.memory_space<hbm>>
      %dma_start3A_506 = arith.constant 0 : i32
      %dma_start3A_507 = arith.constant 0 : i32
      %dma_start3A_508 = tpu.memref_slice %arg6[%dma_start3A_494, %dma_start3A_506, %dma_start3A_507] : memref<10x128x32xf32, #tpu.memory_space<vmem>> -> memref<1x128x32xf32, #tpu.memory_space<vmem>>
      %dma_start3A_509 = tpu.memref_squeeze %dma_start3A_508 : memref<1x128x32xf32, #tpu.memory_space<vmem>> -> memref<128x32xf32, #tpu.memory_space<vmem>>
      tpu.enqueue_dma source(%dma_start3A_509 : memref<128x32xf32, #tpu.memory_space<vmem>>) target(%dma_start3A_505 : memref<128x32xf32, #tpu.memory_space<hbm>>) target_semaphore(%dma_start3A_503 : memref<!tpu.dma_semaphore, #tpu.memory_space<semaphore_mem>>)
      %add3A_510 = arith.constant 8 : i32
      %add3A_511 = arith.addi %add3A_476, %add3A_510 : i32
      %lt3A_512 = arith.constant 200 : i32
      %lt3A_513 = arith.cmpi slt, %add3A_511, %lt3A_512 : i32
      %ge3A_514 = arith.constant 10 : i32
      %ge3A_515 = arith.cmpi sge, %add3A_511, %ge3A_514 : i32
      %and3A_516 = arith.andi %lt3A_513, %ge3A_515 : i1
      %convert_element_type3A_517 = arith.extui %and3A_516 : i1 to i32
      %cond3A_518 = arith.constant 0 : i32
      %cond3A_519 = arith.cmpi ne, %convert_element_type3A_517, %cond3A_518 : i32
      scf.if %cond3A_519 {
        %sub3A = arith.constant 10 : i32
        %sub3A_825 = arith.subi %add3A_511, %sub3A : i32
        %add3A_826 = arith.addi %mul3A_2, %sub3A_825 : i32
        %mul3A_827 = arith.constant 128 : i32
        %mul3A_828 = arith.muli %add3A_826, %mul3A_827 : i32
        %dma_wait3A_829 = arith.constant 1 : i32
        %dma_wait3A_830 = arith.constant 1 : i32
        %dma_wait3A_831 = arith.constant 0 : i32
        %dma_wait3A_832 = arith.constant 0 : i32
        %dma_wait3A_833 = tpu.memref_slice %arg6[%dma_wait3A_829, %dma_wait3A_831, %dma_wait3A_832] : memref<10x128x32xf32, #tpu.memory_space<vmem>> -> memref<1x128x32xf32, #tpu.memory_space<vmem>>
        %dma_wait3A_834 = tpu.memref_squeeze %dma_wait3A_833 : memref<1x128x32xf32, #tpu.memory_space<vmem>> -> memref<128x32xf32, #tpu.memory_space<vmem>>
        %dma_wait3A_835 = arith.constant 0 : i32
        %dma_wait3A_836 = tpu.memref_slice %arg4[%mul3A_828, %dma_wait3A_835] : memref<819200x32xf32, #tpu.memory_space<hbm>> -> memref<128x32xf32, #tpu.memory_space<hbm>>
        %dma_wait3A_837 = tpu.memref_slice %arg8[%dma_wait3A_830] : memref<10x!tpu.dma_semaphore, #tpu.memory_space<semaphore_mem>> -> memref<1x!tpu.dma_semaphore, #tpu.memory_space<semaphore_mem>>
        %dma_wait3A_838 = tpu.memref_squeeze %dma_wait3A_837 : memref<1x!tpu.dma_semaphore, #tpu.memory_space<semaphore_mem>> -> memref<!tpu.dma_semaphore, #tpu.memory_space<semaphore_mem>>
        %dma_wait3A_839 = arith.constant 0 : i32
        %dma_wait3A_840 = tpu.memref_slice %arg4[%mul3A_828, %dma_wait3A_839] : memref<819200x32xf32, #tpu.memory_space<hbm>> -> memref<128x32xf32, #tpu.memory_space<hbm>>
        %dma_wait3A_841 = arith.constant 0 : i32
        %dma_wait3A_842 = arith.constant 0 : i32
        %dma_wait3A_843 = tpu.memref_slice %arg6[%dma_wait3A_829, %dma_wait3A_841, %dma_wait3A_842] : memref<10x128x32xf32, #tpu.memory_space<vmem>> -> memref<1x128x32xf32, #tpu.memory_space<vmem>>
        %dma_wait3A_844 = tpu.memref_squeeze %dma_wait3A_843 : memref<1x128x32xf32, #tpu.memory_space<vmem>> -> memref<128x32xf32, #tpu.memory_space<vmem>>
        tpu.wait_dma2 semaphore(%dma_wait3A_838 : memref<!tpu.dma_semaphore, #tpu.memory_space<semaphore_mem>>) src(%dma_wait3A_844 : memref<128x32xf32, #tpu.memory_space<vmem>>) dst(%dma_wait3A_840 : memref<128x32xf32, #tpu.memory_space<hbm>>)
      } else {
      }
      %lt3A_520 = arith.constant 200 : i32
      %lt3A_521 = arith.cmpi slt, %add3A_511, %lt3A_520 : i32
      %convert_element_type3A_522 = arith.extui %lt3A_521 : i1 to i32
      %cond3A_523 = arith.constant 0 : i32
      %cond3A_524 = arith.cmpi ne, %convert_element_type3A_522, %cond3A_523 : i32
      scf.if %cond3A_524 {
        %dma_start3A_825 = arith.constant 1 : i32
        %dma_start3A_826 = arith.constant 1 : i32
        %dma_start3A_827 = arith.constant 0 : i32
        %dma_start3A_828 = arith.constant 0 : i32
        %dma_start3A_829 = tpu.memref_slice %arg6[%dma_start3A_825, %dma_start3A_827, %dma_start3A_828] : memref<10x128x32xf32, #tpu.memory_space<vmem>> -> memref<1x128x32xf32, #tpu.memory_space<vmem>>
        %dma_start3A_830 = tpu.memref_squeeze %dma_start3A_829 : memref<1x128x32xf32, #tpu.memory_space<vmem>> -> memref<128x32xf32, #tpu.memory_space<vmem>>
        %dma_start3A_831 = arith.constant 0 : i32
        %dma_start3A_832 = tpu.memref_slice %arg5[%add3A_511, %dma_start3A_831] : memref<200x128xi32, #tpu.memory_space<vmem>> -> memref<1x128xi32, #tpu.memory_space<vmem>>
        %dma_start3A_833 = tpu.memref_squeeze %dma_start3A_832 : memref<1x128xi32, #tpu.memory_space<vmem>> -> memref<128xi32, #tpu.memory_space<vmem>>
        %dma_start3A_834 = arith.constant 0 : i32
        %dma_start3A_835 = arith.constant 0 : i32
        %dma_start3A_836 = tpu.memref_slice %arg3[%dma_start3A_834, %dma_start3A_835] : memref<1000000x32xf32, #tpu.memory_space<hbm>> -> memref<1000000x32xf32, #tpu.memory_space<hbm>>
        %dma_start3A_837 = tpu.memref_slice %arg7[%dma_start3A_826] : memref<10x!tpu.dma_semaphore, #tpu.memory_space<semaphore_mem>> -> memref<1x!tpu.dma_semaphore, #tpu.memory_space<semaphore_mem>>
        %dma_start3A_838 = tpu.memref_squeeze %dma_start3A_837 : memref<1x!tpu.dma_semaphore, #tpu.memory_space<semaphore_mem>> -> memref<!tpu.dma_semaphore, #tpu.memory_space<semaphore_mem>>
        tpu.enqueue_indirect_dma source(%dma_start3A_836 : memref<1000000x32xf32, #tpu.memory_space<hbm>>) target(%dma_start3A_830 : memref<128x32xf32, #tpu.memory_space<vmem>>) offsets(%dma_start3A_833 : memref<128xi32, #tpu.memory_space<vmem>>) semaphore(%dma_start3A_838 : memref<!tpu.dma_semaphore, #tpu.memory_space<semaphore_mem>>)
      } else {
      }
      %add3A_525 = arith.constant 4 : i32
      %add3A_526 = arith.addi %add3A_329, %add3A_525 : i32
      %dma_wait3A_527 = arith.constant 4 : i32
      %dma_wait3A_528 = arith.constant 4 : i32
      %dma_wait3A_529 = arith.constant 0 : i32
      %dma_wait3A_530 = arith.constant 0 : i32
      %dma_wait3A_531 = tpu.memref_slice %arg6[%dma_wait3A_527, %dma_wait3A_529, %dma_wait3A_530] : memref<10x128x32xf32, #tpu.memory_space<vmem>> -> memref<1x128x32xf32, #tpu.memory_space<vmem>>
      %dma_wait3A_532 = tpu.memref_squeeze %dma_wait3A_531 : memref<1x128x32xf32, #tpu.memory_space<vmem>> -> memref<128x32xf32, #tpu.memory_space<vmem>>
      %dma_wait3A_533 = arith.constant 0 : i32
      %dma_wait3A_534 = tpu.memref_slice %arg5[%add3A_526, %dma_wait3A_533] : memref<200x128xi32, #tpu.memory_space<vmem>> -> memref<1x128xi32, #tpu.memory_space<vmem>>
      %dma_wait3A_535 = tpu.memref_squeeze %dma_wait3A_534 : memref<1x128xi32, #tpu.memory_space<vmem>> -> memref<128xi32, #tpu.memory_space<vmem>>
      %dma_wait3A_536 = arith.constant 0 : i32
      %dma_wait3A_537 = arith.constant 0 : i32
      %dma_wait3A_538 = tpu.memref_slice %arg3[%dma_wait3A_536, %dma_wait3A_537] : memref<1000000x32xf32, #tpu.memory_space<hbm>> -> memref<1000000x32xf32, #tpu.memory_space<hbm>>
      %dma_wait3A_539 = tpu.memref_slice %arg7[%dma_wait3A_528] : memref<10x!tpu.dma_semaphore, #tpu.memory_space<semaphore_mem>> -> memref<1x!tpu.dma_semaphore, #tpu.memory_space<semaphore_mem>>
      %dma_wait3A_540 = tpu.memref_squeeze %dma_wait3A_539 : memref<1x!tpu.dma_semaphore, #tpu.memory_space<semaphore_mem>> -> memref<!tpu.dma_semaphore, #tpu.memory_space<semaphore_mem>>
      tpu.wait_indirect_dma semaphore(%dma_wait3A_540 : memref<!tpu.dma_semaphore, #tpu.memory_space<semaphore_mem>>) src(%dma_wait3A_538 : memref<1000000x32xf32, #tpu.memory_space<hbm>>) dst(%dma_wait3A_532 : memref<128x32xf32, #tpu.memory_space<vmem>>)
      %add3A_541 = arith.addi %mul3A_2, %add3A_526 : i32
      %mul3A_542 = arith.constant 128 : i32
      %mul3A_543 = arith.muli %add3A_541, %mul3A_542 : i32
      %dma_start3A_544 = arith.constant 4 : i32
      %dma_start3A_545 = arith.constant 4 : i32
      %dma_start3A_546 = arith.constant 0 : i32
      %dma_start3A_547 = arith.constant 0 : i32
      %dma_start3A_548 = tpu.memref_slice %arg6[%dma_start3A_544, %dma_start3A_546, %dma_start3A_547] : memref<10x128x32xf32, #tpu.memory_space<vmem>> -> memref<1x128x32xf32, #tpu.memory_space<vmem>>
      %dma_start3A_549 = tpu.memref_squeeze %dma_start3A_548 : memref<1x128x32xf32, #tpu.memory_space<vmem>> -> memref<128x32xf32, #tpu.memory_space<vmem>>
      %dma_start3A_550 = arith.constant 0 : i32
      %dma_start3A_551 = tpu.memref_slice %arg4[%mul3A_543, %dma_start3A_550] : memref<819200x32xf32, #tpu.memory_space<hbm>> -> memref<128x32xf32, #tpu.memory_space<hbm>>
      %dma_start3A_552 = tpu.memref_slice %arg8[%dma_start3A_545] : memref<10x!tpu.dma_semaphore, #tpu.memory_space<semaphore_mem>> -> memref<1x!tpu.dma_semaphore, #tpu.memory_space<semaphore_mem>>
      %dma_start3A_553 = tpu.memref_squeeze %dma_start3A_552 : memref<1x!tpu.dma_semaphore, #tpu.memory_space<semaphore_mem>> -> memref<!tpu.dma_semaphore, #tpu.memory_space<semaphore_mem>>
      %dma_start3A_554 = arith.constant 0 : i32
      %dma_start3A_555 = tpu.memref_slice %arg4[%mul3A_543, %dma_start3A_554] : memref<819200x32xf32, #tpu.memory_space<hbm>> -> memref<128x32xf32, #tpu.memory_space<hbm>>
      %dma_start3A_556 = arith.constant 0 : i32
      %dma_start3A_557 = arith.constant 0 : i32
      %dma_start3A_558 = tpu.memref_slice %arg6[%dma_start3A_544, %dma_start3A_556, %dma_start3A_557] : memref<10x128x32xf32, #tpu.memory_space<vmem>> -> memref<1x128x32xf32, #tpu.memory_space<vmem>>
      %dma_start3A_559 = tpu.memref_squeeze %dma_start3A_558 : memref<1x128x32xf32, #tpu.memory_space<vmem>> -> memref<128x32xf32, #tpu.memory_space<vmem>>
      tpu.enqueue_dma source(%dma_start3A_559 : memref<128x32xf32, #tpu.memory_space<vmem>>) target(%dma_start3A_555 : memref<128x32xf32, #tpu.memory_space<hbm>>) target_semaphore(%dma_start3A_553 : memref<!tpu.dma_semaphore, #tpu.memory_space<semaphore_mem>>)
      %add3A_560 = arith.constant 8 : i32
      %add3A_561 = arith.addi %add3A_526, %add3A_560 : i32
      %lt3A_562 = arith.constant 200 : i32
      %lt3A_563 = arith.cmpi slt, %add3A_561, %lt3A_562 : i32
      %ge3A_564 = arith.constant 10 : i32
      %ge3A_565 = arith.cmpi sge, %add3A_561, %ge3A_564 : i32
      %and3A_566 = arith.andi %lt3A_563, %ge3A_565 : i1
      %convert_element_type3A_567 = arith.extui %and3A_566 : i1 to i32
      %cond3A_568 = arith.constant 0 : i32
      %cond3A_569 = arith.cmpi ne, %convert_element_type3A_567, %cond3A_568 : i32
      scf.if %cond3A_569 {
        %sub3A = arith.constant 10 : i32
        %sub3A_825 = arith.subi %add3A_561, %sub3A : i32
        %add3A_826 = arith.addi %mul3A_2, %sub3A_825 : i32
        %mul3A_827 = arith.constant 128 : i32
        %mul3A_828 = arith.muli %add3A_826, %mul3A_827 : i32
        %dma_wait3A_829 = arith.constant 2 : i32
        %dma_wait3A_830 = arith.constant 2 : i32
        %dma_wait3A_831 = arith.constant 0 : i32
        %dma_wait3A_832 = arith.constant 0 : i32
        %dma_wait3A_833 = tpu.memref_slice %arg6[%dma_wait3A_829, %dma_wait3A_831, %dma_wait3A_832] : memref<10x128x32xf32, #tpu.memory_space<vmem>> -> memref<1x128x32xf32, #tpu.memory_space<vmem>>
        %dma_wait3A_834 = tpu.memref_squeeze %dma_wait3A_833 : memref<1x128x32xf32, #tpu.memory_space<vmem>> -> memref<128x32xf32, #tpu.memory_space<vmem>>
        %dma_wait3A_835 = arith.constant 0 : i32
        %dma_wait3A_836 = tpu.memref_slice %arg4[%mul3A_828, %dma_wait3A_835] : memref<819200x32xf32, #tpu.memory_space<hbm>> -> memref<128x32xf32, #tpu.memory_space<hbm>>
        %dma_wait3A_837 = tpu.memref_slice %arg8[%dma_wait3A_830] : memref<10x!tpu.dma_semaphore, #tpu.memory_space<semaphore_mem>> -> memref<1x!tpu.dma_semaphore, #tpu.memory_space<semaphore_mem>>
        %dma_wait3A_838 = tpu.memref_squeeze %dma_wait3A_837 : memref<1x!tpu.dma_semaphore, #tpu.memory_space<semaphore_mem>> -> memref<!tpu.dma_semaphore, #tpu.memory_space<semaphore_mem>>
        %dma_wait3A_839 = arith.constant 0 : i32
        %dma_wait3A_840 = tpu.memref_slice %arg4[%mul3A_828, %dma_wait3A_839] : memref<819200x32xf32, #tpu.memory_space<hbm>> -> memref<128x32xf32, #tpu.memory_space<hbm>>
        %dma_wait3A_841 = arith.constant 0 : i32
        %dma_wait3A_842 = arith.constant 0 : i32
        %dma_wait3A_843 = tpu.memref_slice %arg6[%dma_wait3A_829, %dma_wait3A_841, %dma_wait3A_842] : memref<10x128x32xf32, #tpu.memory_space<vmem>> -> memref<1x128x32xf32, #tpu.memory_space<vmem>>
        %dma_wait3A_844 = tpu.memref_squeeze %dma_wait3A_843 : memref<1x128x32xf32, #tpu.memory_space<vmem>> -> memref<128x32xf32, #tpu.memory_space<vmem>>
        tpu.wait_dma2 semaphore(%dma_wait3A_838 : memref<!tpu.dma_semaphore, #tpu.memory_space<semaphore_mem>>) src(%dma_wait3A_844 : memref<128x32xf32, #tpu.memory_space<vmem>>) dst(%dma_wait3A_840 : memref<128x32xf32, #tpu.memory_space<hbm>>)
      } else {
      }
      %lt3A_570 = arith.constant 200 : i32
      %lt3A_571 = arith.cmpi slt, %add3A_561, %lt3A_570 : i32
      %convert_element_type3A_572 = arith.extui %lt3A_571 : i1 to i32
      %cond3A_573 = arith.constant 0 : i32
      %cond3A_574 = arith.cmpi ne, %convert_element_type3A_572, %cond3A_573 : i32
      scf.if %cond3A_574 {
        %dma_start3A_825 = arith.constant 2 : i32
        %dma_start3A_826 = arith.constant 2 : i32
        %dma_start3A_827 = arith.constant 0 : i32
        %dma_start3A_828 = arith.constant 0 : i32
        %dma_start3A_829 = tpu.memref_slice %arg6[%dma_start3A_825, %dma_start3A_827, %dma_start3A_828] : memref<10x128x32xf32, #tpu.memory_space<vmem>> -> memref<1x128x32xf32, #tpu.memory_space<vmem>>
        %dma_start3A_830 = tpu.memref_squeeze %dma_start3A_829 : memref<1x128x32xf32, #tpu.memory_space<vmem>> -> memref<128x32xf32, #tpu.memory_space<vmem>>
        %dma_start3A_831 = arith.constant 0 : i32
        %dma_start3A_832 = tpu.memref_slice %arg5[%add3A_561, %dma_start3A_831] : memref<200x128xi32, #tpu.memory_space<vmem>> -> memref<1x128xi32, #tpu.memory_space<vmem>>
        %dma_start3A_833 = tpu.memref_squeeze %dma_start3A_832 : memref<1x128xi32, #tpu.memory_space<vmem>> -> memref<128xi32, #tpu.memory_space<vmem>>
        %dma_start3A_834 = arith.constant 0 : i32
        %dma_start3A_835 = arith.constant 0 : i32
        %dma_start3A_836 = tpu.memref_slice %arg3[%dma_start3A_834, %dma_start3A_835] : memref<1000000x32xf32, #tpu.memory_space<hbm>> -> memref<1000000x32xf32, #tpu.memory_space<hbm>>
        %dma_start3A_837 = tpu.memref_slice %arg7[%dma_start3A_826] : memref<10x!tpu.dma_semaphore, #tpu.memory_space<semaphore_mem>> -> memref<1x!tpu.dma_semaphore, #tpu.memory_space<semaphore_mem>>
        %dma_start3A_838 = tpu.memref_squeeze %dma_start3A_837 : memref<1x!tpu.dma_semaphore, #tpu.memory_space<semaphore_mem>> -> memref<!tpu.dma_semaphore, #tpu.memory_space<semaphore_mem>>
        tpu.enqueue_indirect_dma source(%dma_start3A_836 : memref<1000000x32xf32, #tpu.memory_space<hbm>>) target(%dma_start3A_830 : memref<128x32xf32, #tpu.memory_space<vmem>>) offsets(%dma_start3A_833 : memref<128xi32, #tpu.memory_space<vmem>>) semaphore(%dma_start3A_838 : memref<!tpu.dma_semaphore, #tpu.memory_space<semaphore_mem>>)
      } else {
      }
      %add3A_575 = arith.constant 5 : i32
      %add3A_576 = arith.addi %add3A_329, %add3A_575 : i32
      %dma_wait3A_577 = arith.constant 5 : i32
      %dma_wait3A_578 = arith.constant 5 : i32
      %dma_wait3A_579 = arith.constant 0 : i32
      %dma_wait3A_580 = arith.constant 0 : i32
      %dma_wait3A_581 = tpu.memref_slice %arg6[%dma_wait3A_577, %dma_wait3A_579, %dma_wait3A_580] : memref<10x128x32xf32, #tpu.memory_space<vmem>> -> memref<1x128x32xf32, #tpu.memory_space<vmem>>
      %dma_wait3A_582 = tpu.memref_squeeze %dma_wait3A_581 : memref<1x128x32xf32, #tpu.memory_space<vmem>> -> memref<128x32xf32, #tpu.memory_space<vmem>>
      %dma_wait3A_583 = arith.constant 0 : i32
      %dma_wait3A_584 = tpu.memref_slice %arg5[%add3A_576, %dma_wait3A_583] : memref<200x128xi32, #tpu.memory_space<vmem>> -> memref<1x128xi32, #tpu.memory_space<vmem>>
      %dma_wait3A_585 = tpu.memref_squeeze %dma_wait3A_584 : memref<1x128xi32, #tpu.memory_space<vmem>> -> memref<128xi32, #tpu.memory_space<vmem>>
      %dma_wait3A_586 = arith.constant 0 : i32
      %dma_wait3A_587 = arith.constant 0 : i32
      %dma_wait3A_588 = tpu.memref_slice %arg3[%dma_wait3A_586, %dma_wait3A_587] : memref<1000000x32xf32, #tpu.memory_space<hbm>> -> memref<1000000x32xf32, #tpu.memory_space<hbm>>
      %dma_wait3A_589 = tpu.memref_slice %arg7[%dma_wait3A_578] : memref<10x!tpu.dma_semaphore, #tpu.memory_space<semaphore_mem>> -> memref<1x!tpu.dma_semaphore, #tpu.memory_space<semaphore_mem>>
      %dma_wait3A_590 = tpu.memref_squeeze %dma_wait3A_589 : memref<1x!tpu.dma_semaphore, #tpu.memory_space<semaphore_mem>> -> memref<!tpu.dma_semaphore, #tpu.memory_space<semaphore_mem>>
      tpu.wait_indirect_dma semaphore(%dma_wait3A_590 : memref<!tpu.dma_semaphore, #tpu.memory_space<semaphore_mem>>) src(%dma_wait3A_588 : memref<1000000x32xf32, #tpu.memory_space<hbm>>) dst(%dma_wait3A_582 : memref<128x32xf32, #tpu.memory_space<vmem>>)
      %add3A_591 = arith.addi %mul3A_2, %add3A_576 : i32
      %mul3A_592 = arith.constant 128 : i32
      %mul3A_593 = arith.muli %add3A_591, %mul3A_592 : i32
      %dma_start3A_594 = arith.constant 5 : i32
      %dma_start3A_595 = arith.constant 5 : i32
      %dma_start3A_596 = arith.constant 0 : i32
      %dma_start3A_597 = arith.constant 0 : i32
      %dma_start3A_598 = tpu.memref_slice %arg6[%dma_start3A_594, %dma_start3A_596, %dma_start3A_597] : memref<10x128x32xf32, #tpu.memory_space<vmem>> -> memref<1x128x32xf32, #tpu.memory_space<vmem>>
      %dma_start3A_599 = tpu.memref_squeeze %dma_start3A_598 : memref<1x128x32xf32, #tpu.memory_space<vmem>> -> memref<128x32xf32, #tpu.memory_space<vmem>>
      %dma_start3A_600 = arith.constant 0 : i32
      %dma_start3A_601 = tpu.memref_slice %arg4[%mul3A_593, %dma_start3A_600] : memref<819200x32xf32, #tpu.memory_space<hbm>> -> memref<128x32xf32, #tpu.memory_space<hbm>>
      %dma_start3A_602 = tpu.memref_slice %arg8[%dma_start3A_595] : memref<10x!tpu.dma_semaphore, #tpu.memory_space<semaphore_mem>> -> memref<1x!tpu.dma_semaphore, #tpu.memory_space<semaphore_mem>>
      %dma_start3A_603 = tpu.memref_squeeze %dma_start3A_602 : memref<1x!tpu.dma_semaphore, #tpu.memory_space<semaphore_mem>> -> memref<!tpu.dma_semaphore, #tpu.memory_space<semaphore_mem>>
      %dma_start3A_604 = arith.constant 0 : i32
      %dma_start3A_605 = tpu.memref_slice %arg4[%mul3A_593, %dma_start3A_604] : memref<819200x32xf32, #tpu.memory_space<hbm>> -> memref<128x32xf32, #tpu.memory_space<hbm>>
      %dma_start3A_606 = arith.constant 0 : i32
      %dma_start3A_607 = arith.constant 0 : i32
      %dma_start3A_608 = tpu.memref_slice %arg6[%dma_start3A_594, %dma_start3A_606, %dma_start3A_607] : memref<10x128x32xf32, #tpu.memory_space<vmem>> -> memref<1x128x32xf32, #tpu.memory_space<vmem>>
      %dma_start3A_609 = tpu.memref_squeeze %dma_start3A_608 : memref<1x128x32xf32, #tpu.memory_space<vmem>> -> memref<128x32xf32, #tpu.memory_space<vmem>>
      tpu.enqueue_dma source(%dma_start3A_609 : memref<128x32xf32, #tpu.memory_space<vmem>>) target(%dma_start3A_605 : memref<128x32xf32, #tpu.memory_space<hbm>>) target_semaphore(%dma_start3A_603 : memref<!tpu.dma_semaphore, #tpu.memory_space<semaphore_mem>>)
      %add3A_610 = arith.constant 8 : i32
      %add3A_611 = arith.addi %add3A_576, %add3A_610 : i32
      %lt3A_612 = arith.constant 200 : i32
      %lt3A_613 = arith.cmpi slt, %add3A_611, %lt3A_612 : i32
      %ge3A_614 = arith.constant 10 : i32
      %ge3A_615 = arith.cmpi sge, %add3A_611, %ge3A_614 : i32
      %and3A_616 = arith.andi %lt3A_613, %ge3A_615 : i1
      %convert_element_type3A_617 = arith.extui %and3A_616 : i1 to i32
      %cond3A_618 = arith.constant 0 : i32
      %cond3A_619 = arith.cmpi ne, %convert_element_type3A_617, %cond3A_618 : i32
      scf.if %cond3A_619 {
        %sub3A = arith.constant 10 : i32
        %sub3A_825 = arith.subi %add3A_611, %sub3A : i32
        %add3A_826 = arith.addi %mul3A_2, %sub3A_825 : i32
        %mul3A_827 = arith.constant 128 : i32
        %mul3A_828 = arith.muli %add3A_826, %mul3A_827 : i32
        %dma_wait3A_829 = arith.constant 3 : i32
        %dma_wait3A_830 = arith.constant 3 : i32
        %dma_wait3A_831 = arith.constant 0 : i32
        %dma_wait3A_832 = arith.constant 0 : i32
        %dma_wait3A_833 = tpu.memref_slice %arg6[%dma_wait3A_829, %dma_wait3A_831, %dma_wait3A_832] : memref<10x128x32xf32, #tpu.memory_space<vmem>> -> memref<1x128x32xf32, #tpu.memory_space<vmem>>
        %dma_wait3A_834 = tpu.memref_squeeze %dma_wait3A_833 : memref<1x128x32xf32, #tpu.memory_space<vmem>> -> memref<128x32xf32, #tpu.memory_space<vmem>>
        %dma_wait3A_835 = arith.constant 0 : i32
        %dma_wait3A_836 = tpu.memref_slice %arg4[%mul3A_828, %dma_wait3A_835] : memref<819200x32xf32, #tpu.memory_space<hbm>> -> memref<128x32xf32, #tpu.memory_space<hbm>>
        %dma_wait3A_837 = tpu.memref_slice %arg8[%dma_wait3A_830] : memref<10x!tpu.dma_semaphore, #tpu.memory_space<semaphore_mem>> -> memref<1x!tpu.dma_semaphore, #tpu.memory_space<semaphore_mem>>
        %dma_wait3A_838 = tpu.memref_squeeze %dma_wait3A_837 : memref<1x!tpu.dma_semaphore, #tpu.memory_space<semaphore_mem>> -> memref<!tpu.dma_semaphore, #tpu.memory_space<semaphore_mem>>
        %dma_wait3A_839 = arith.constant 0 : i32
        %dma_wait3A_840 = tpu.memref_slice %arg4[%mul3A_828, %dma_wait3A_839] : memref<819200x32xf32, #tpu.memory_space<hbm>> -> memref<128x32xf32, #tpu.memory_space<hbm>>
        %dma_wait3A_841 = arith.constant 0 : i32
        %dma_wait3A_842 = arith.constant 0 : i32
        %dma_wait3A_843 = tpu.memref_slice %arg6[%dma_wait3A_829, %dma_wait3A_841, %dma_wait3A_842] : memref<10x128x32xf32, #tpu.memory_space<vmem>> -> memref<1x128x32xf32, #tpu.memory_space<vmem>>
        %dma_wait3A_844 = tpu.memref_squeeze %dma_wait3A_843 : memref<1x128x32xf32, #tpu.memory_space<vmem>> -> memref<128x32xf32, #tpu.memory_space<vmem>>
        tpu.wait_dma2 semaphore(%dma_wait3A_838 : memref<!tpu.dma_semaphore, #tpu.memory_space<semaphore_mem>>) src(%dma_wait3A_844 : memref<128x32xf32, #tpu.memory_space<vmem>>) dst(%dma_wait3A_840 : memref<128x32xf32, #tpu.memory_space<hbm>>)
      } else {
      }
      %lt3A_620 = arith.constant 200 : i32
      %lt3A_621 = arith.cmpi slt, %add3A_611, %lt3A_620 : i32
      %convert_element_type3A_622 = arith.extui %lt3A_621 : i1 to i32
      %cond3A_623 = arith.constant 0 : i32
      %cond3A_624 = arith.cmpi ne, %convert_element_type3A_622, %cond3A_623 : i32
      scf.if %cond3A_624 {
        %dma_start3A_825 = arith.constant 3 : i32
        %dma_start3A_826 = arith.constant 3 : i32
        %dma_start3A_827 = arith.constant 0 : i32
        %dma_start3A_828 = arith.constant 0 : i32
        %dma_start3A_829 = tpu.memref_slice %arg6[%dma_start3A_825, %dma_start3A_827, %dma_start3A_828] : memref<10x128x32xf32, #tpu.memory_space<vmem>> -> memref<1x128x32xf32, #tpu.memory_space<vmem>>
        %dma_start3A_830 = tpu.memref_squeeze %dma_start3A_829 : memref<1x128x32xf32, #tpu.memory_space<vmem>> -> memref<128x32xf32, #tpu.memory_space<vmem>>
        %dma_start3A_831 = arith.constant 0 : i32
        %dma_start3A_832 = tpu.memref_slice %arg5[%add3A_611, %dma_start3A_831] : memref<200x128xi32, #tpu.memory_space<vmem>> -> memref<1x128xi32, #tpu.memory_space<vmem>>
        %dma_start3A_833 = tpu.memref_squeeze %dma_start3A_832 : memref<1x128xi32, #tpu.memory_space<vmem>> -> memref<128xi32, #tpu.memory_space<vmem>>
        %dma_start3A_834 = arith.constant 0 : i32
        %dma_start3A_835 = arith.constant 0 : i32
        %dma_start3A_836 = tpu.memref_slice %arg3[%dma_start3A_834, %dma_start3A_835] : memref<1000000x32xf32, #tpu.memory_space<hbm>> -> memref<1000000x32xf32, #tpu.memory_space<hbm>>
        %dma_start3A_837 = tpu.memref_slice %arg7[%dma_start3A_826] : memref<10x!tpu.dma_semaphore, #tpu.memory_space<semaphore_mem>> -> memref<1x!tpu.dma_semaphore, #tpu.memory_space<semaphore_mem>>
        %dma_start3A_838 = tpu.memref_squeeze %dma_start3A_837 : memref<1x!tpu.dma_semaphore, #tpu.memory_space<semaphore_mem>> -> memref<!tpu.dma_semaphore, #tpu.memory_space<semaphore_mem>>
        tpu.enqueue_indirect_dma source(%dma_start3A_836 : memref<1000000x32xf32, #tpu.memory_space<hbm>>) target(%dma_start3A_830 : memref<128x32xf32, #tpu.memory_space<vmem>>) offsets(%dma_start3A_833 : memref<128xi32, #tpu.memory_space<vmem>>) semaphore(%dma_start3A_838 : memref<!tpu.dma_semaphore, #tpu.memory_space<semaphore_mem>>)
      } else {
      }
      %add3A_625 = arith.constant 6 : i32
      %add3A_626 = arith.addi %add3A_329, %add3A_625 : i32
      %dma_wait3A_627 = arith.constant 6 : i32
      %dma_wait3A_628 = arith.constant 6 : i32
      %dma_wait3A_629 = arith.constant 0 : i32
      %dma_wait3A_630 = arith.constant 0 : i32
      %dma_wait3A_631 = tpu.memref_slice %arg6[%dma_wait3A_627, %dma_wait3A_629, %dma_wait3A_630] : memref<10x128x32xf32, #tpu.memory_space<vmem>> -> memref<1x128x32xf32, #tpu.memory_space<vmem>>
      %dma_wait3A_632 = tpu.memref_squeeze %dma_wait3A_631 : memref<1x128x32xf32, #tpu.memory_space<vmem>> -> memref<128x32xf32, #tpu.memory_space<vmem>>
      %dma_wait3A_633 = arith.constant 0 : i32
      %dma_wait3A_634 = tpu.memref_slice %arg5[%add3A_626, %dma_wait3A_633] : memref<200x128xi32, #tpu.memory_space<vmem>> -> memref<1x128xi32, #tpu.memory_space<vmem>>
      %dma_wait3A_635 = tpu.memref_squeeze %dma_wait3A_634 : memref<1x128xi32, #tpu.memory_space<vmem>> -> memref<128xi32, #tpu.memory_space<vmem>>
      %dma_wait3A_636 = arith.constant 0 : i32
      %dma_wait3A_637 = arith.constant 0 : i32
      %dma_wait3A_638 = tpu.memref_slice %arg3[%dma_wait3A_636, %dma_wait3A_637] : memref<1000000x32xf32, #tpu.memory_space<hbm>> -> memref<1000000x32xf32, #tpu.memory_space<hbm>>
      %dma_wait3A_639 = tpu.memref_slice %arg7[%dma_wait3A_628] : memref<10x!tpu.dma_semaphore, #tpu.memory_space<semaphore_mem>> -> memref<1x!tpu.dma_semaphore, #tpu.memory_space<semaphore_mem>>
      %dma_wait3A_640 = tpu.memref_squeeze %dma_wait3A_639 : memref<1x!tpu.dma_semaphore, #tpu.memory_space<semaphore_mem>> -> memref<!tpu.dma_semaphore, #tpu.memory_space<semaphore_mem>>
      tpu.wait_indirect_dma semaphore(%dma_wait3A_640 : memref<!tpu.dma_semaphore, #tpu.memory_space<semaphore_mem>>) src(%dma_wait3A_638 : memref<1000000x32xf32, #tpu.memory_space<hbm>>) dst(%dma_wait3A_632 : memref<128x32xf32, #tpu.memory_space<vmem>>)
      %add3A_641 = arith.addi %mul3A_2, %add3A_626 : i32
      %mul3A_642 = arith.constant 128 : i32
      %mul3A_643 = arith.muli %add3A_641, %mul3A_642 : i32
      %dma_start3A_644 = arith.constant 6 : i32
      %dma_start3A_645 = arith.constant 6 : i32
      %dma_start3A_646 = arith.constant 0 : i32
      %dma_start3A_647 = arith.constant 0 : i32
      %dma_start3A_648 = tpu.memref_slice %arg6[%dma_start3A_644, %dma_start3A_646, %dma_start3A_647] : memref<10x128x32xf32, #tpu.memory_space<vmem>> -> memref<1x128x32xf32, #tpu.memory_space<vmem>>
      %dma_start3A_649 = tpu.memref_squeeze %dma_start3A_648 : memref<1x128x32xf32, #tpu.memory_space<vmem>> -> memref<128x32xf32, #tpu.memory_space<vmem>>
      %dma_start3A_650 = arith.constant 0 : i32
      %dma_start3A_651 = tpu.memref_slice %arg4[%mul3A_643, %dma_start3A_650] : memref<819200x32xf32, #tpu.memory_space<hbm>> -> memref<128x32xf32, #tpu.memory_space<hbm>>
      %dma_start3A_652 = tpu.memref_slice %arg8[%dma_start3A_645] : memref<10x!tpu.dma_semaphore, #tpu.memory_space<semaphore_mem>> -> memref<1x!tpu.dma_semaphore, #tpu.memory_space<semaphore_mem>>
      %dma_start3A_653 = tpu.memref_squeeze %dma_start3A_652 : memref<1x!tpu.dma_semaphore, #tpu.memory_space<semaphore_mem>> -> memref<!tpu.dma_semaphore, #tpu.memory_space<semaphore_mem>>
      %dma_start3A_654 = arith.constant 0 : i32
      %dma_start3A_655 = tpu.memref_slice %arg4[%mul3A_643, %dma_start3A_654] : memref<819200x32xf32, #tpu.memory_space<hbm>> -> memref<128x32xf32, #tpu.memory_space<hbm>>
      %dma_start3A_656 = arith.constant 0 : i32
      %dma_start3A_657 = arith.constant 0 : i32
      %dma_start3A_658 = tpu.memref_slice %arg6[%dma_start3A_644, %dma_start3A_656, %dma_start3A_657] : memref<10x128x32xf32, #tpu.memory_space<vmem>> -> memref<1x128x32xf32, #tpu.memory_space<vmem>>
      %dma_start3A_659 = tpu.memref_squeeze %dma_start3A_658 : memref<1x128x32xf32, #tpu.memory_space<vmem>> -> memref<128x32xf32, #tpu.memory_space<vmem>>
      tpu.enqueue_dma source(%dma_start3A_659 : memref<128x32xf32, #tpu.memory_space<vmem>>) target(%dma_start3A_655 : memref<128x32xf32, #tpu.memory_space<hbm>>) target_semaphore(%dma_start3A_653 : memref<!tpu.dma_semaphore, #tpu.memory_space<semaphore_mem>>)
      %add3A_660 = arith.constant 8 : i32
      %add3A_661 = arith.addi %add3A_626, %add3A_660 : i32
      %lt3A_662 = arith.constant 200 : i32
      %lt3A_663 = arith.cmpi slt, %add3A_661, %lt3A_662 : i32
      %ge3A_664 = arith.constant 10 : i32
      %ge3A_665 = arith.cmpi sge, %add3A_661, %ge3A_664 : i32
      %and3A_666 = arith.andi %lt3A_663, %ge3A_665 : i1
      %convert_element_type3A_667 = arith.extui %and3A_666 : i1 to i32
      %cond3A_668 = arith.constant 0 : i32
      %cond3A_669 = arith.cmpi ne, %convert_element_type3A_667, %cond3A_668 : i32
      scf.if %cond3A_669 {
        %sub3A = arith.constant 10 : i32
        %sub3A_825 = arith.subi %add3A_661, %sub3A : i32
        %add3A_826 = arith.addi %mul3A_2, %sub3A_825 : i32
        %mul3A_827 = arith.constant 128 : i32
        %mul3A_828 = arith.muli %add3A_826, %mul3A_827 : i32
        %dma_wait3A_829 = arith.constant 4 : i32
        %dma_wait3A_830 = arith.constant 4 : i32
        %dma_wait3A_831 = arith.constant 0 : i32
        %dma_wait3A_832 = arith.constant 0 : i32
        %dma_wait3A_833 = tpu.memref_slice %arg6[%dma_wait3A_829, %dma_wait3A_831, %dma_wait3A_832] : memref<10x128x32xf32, #tpu.memory_space<vmem>> -> memref<1x128x32xf32, #tpu.memory_space<vmem>>
        %dma_wait3A_834 = tpu.memref_squeeze %dma_wait3A_833 : memref<1x128x32xf32, #tpu.memory_space<vmem>> -> memref<128x32xf32, #tpu.memory_space<vmem>>
        %dma_wait3A_835 = arith.constant 0 : i32
        %dma_wait3A_836 = tpu.memref_slice %arg4[%mul3A_828, %dma_wait3A_835] : memref<819200x32xf32, #tpu.memory_space<hbm>> -> memref<128x32xf32, #tpu.memory_space<hbm>>
        %dma_wait3A_837 = tpu.memref_slice %arg8[%dma_wait3A_830] : memref<10x!tpu.dma_semaphore, #tpu.memory_space<semaphore_mem>> -> memref<1x!tpu.dma_semaphore, #tpu.memory_space<semaphore_mem>>
        %dma_wait3A_838 = tpu.memref_squeeze %dma_wait3A_837 : memref<1x!tpu.dma_semaphore, #tpu.memory_space<semaphore_mem>> -> memref<!tpu.dma_semaphore, #tpu.memory_space<semaphore_mem>>
        %dma_wait3A_839 = arith.constant 0 : i32
        %dma_wait3A_840 = tpu.memref_slice %arg4[%mul3A_828, %dma_wait3A_839] : memref<819200x32xf32, #tpu.memory_space<hbm>> -> memref<128x32xf32, #tpu.memory_space<hbm>>
        %dma_wait3A_841 = arith.constant 0 : i32
        %dma_wait3A_842 = arith.constant 0 : i32
        %dma_wait3A_843 = tpu.memref_slice %arg6[%dma_wait3A_829, %dma_wait3A_841, %dma_wait3A_842] : memref<10x128x32xf32, #tpu.memory_space<vmem>> -> memref<1x128x32xf32, #tpu.memory_space<vmem>>
        %dma_wait3A_844 = tpu.memref_squeeze %dma_wait3A_843 : memref<1x128x32xf32, #tpu.memory_space<vmem>> -> memref<128x32xf32, #tpu.memory_space<vmem>>
        tpu.wait_dma2 semaphore(%dma_wait3A_838 : memref<!tpu.dma_semaphore, #tpu.memory_space<semaphore_mem>>) src(%dma_wait3A_844 : memref<128x32xf32, #tpu.memory_space<vmem>>) dst(%dma_wait3A_840 : memref<128x32xf32, #tpu.memory_space<hbm>>)
      } else {
      }
      %lt3A_670 = arith.constant 200 : i32
      %lt3A_671 = arith.cmpi slt, %add3A_661, %lt3A_670 : i32
      %convert_element_type3A_672 = arith.extui %lt3A_671 : i1 to i32
      %cond3A_673 = arith.constant 0 : i32
      %cond3A_674 = arith.cmpi ne, %convert_element_type3A_672, %cond3A_673 : i32
      scf.if %cond3A_674 {
        %dma_start3A_825 = arith.constant 4 : i32
        %dma_start3A_826 = arith.constant 4 : i32
        %dma_start3A_827 = arith.constant 0 : i32
        %dma_start3A_828 = arith.constant 0 : i32
        %dma_start3A_829 = tpu.memref_slice %arg6[%dma_start3A_825, %dma_start3A_827, %dma_start3A_828] : memref<10x128x32xf32, #tpu.memory_space<vmem>> -> memref<1x128x32xf32, #tpu.memory_space<vmem>>
        %dma_start3A_830 = tpu.memref_squeeze %dma_start3A_829 : memref<1x128x32xf32, #tpu.memory_space<vmem>> -> memref<128x32xf32, #tpu.memory_space<vmem>>
        %dma_start3A_831 = arith.constant 0 : i32
        %dma_start3A_832 = tpu.memref_slice %arg5[%add3A_661, %dma_start3A_831] : memref<200x128xi32, #tpu.memory_space<vmem>> -> memref<1x128xi32, #tpu.memory_space<vmem>>
        %dma_start3A_833 = tpu.memref_squeeze %dma_start3A_832 : memref<1x128xi32, #tpu.memory_space<vmem>> -> memref<128xi32, #tpu.memory_space<vmem>>
        %dma_start3A_834 = arith.constant 0 : i32
        %dma_start3A_835 = arith.constant 0 : i32
        %dma_start3A_836 = tpu.memref_slice %arg3[%dma_start3A_834, %dma_start3A_835] : memref<1000000x32xf32, #tpu.memory_space<hbm>> -> memref<1000000x32xf32, #tpu.memory_space<hbm>>
        %dma_start3A_837 = tpu.memref_slice %arg7[%dma_start3A_826] : memref<10x!tpu.dma_semaphore, #tpu.memory_space<semaphore_mem>> -> memref<1x!tpu.dma_semaphore, #tpu.memory_space<semaphore_mem>>
        %dma_start3A_838 = tpu.memref_squeeze %dma_start3A_837 : memref<1x!tpu.dma_semaphore, #tpu.memory_space<semaphore_mem>> -> memref<!tpu.dma_semaphore, #tpu.memory_space<semaphore_mem>>
        tpu.enqueue_indirect_dma source(%dma_start3A_836 : memref<1000000x32xf32, #tpu.memory_space<hbm>>) target(%dma_start3A_830 : memref<128x32xf32, #tpu.memory_space<vmem>>) offsets(%dma_start3A_833 : memref<128xi32, #tpu.memory_space<vmem>>) semaphore(%dma_start3A_838 : memref<!tpu.dma_semaphore, #tpu.memory_space<semaphore_mem>>)
      } else {
      }
      %add3A_675 = arith.constant 7 : i32
      %add3A_676 = arith.addi %add3A_329, %add3A_675 : i32
      %dma_wait3A_677 = arith.constant 7 : i32
      %dma_wait3A_678 = arith.constant 7 : i32
      %dma_wait3A_679 = arith.constant 0 : i32
      %dma_wait3A_680 = arith.constant 0 : i32
      %dma_wait3A_681 = tpu.memref_slice %arg6[%dma_wait3A_677, %dma_wait3A_679, %dma_wait3A_680] : memref<10x128x32xf32, #tpu.memory_space<vmem>> -> memref<1x128x32xf32, #tpu.memory_space<vmem>>
      %dma_wait3A_682 = tpu.memref_squeeze %dma_wait3A_681 : memref<1x128x32xf32, #tpu.memory_space<vmem>> -> memref<128x32xf32, #tpu.memory_space<vmem>>
      %dma_wait3A_683 = arith.constant 0 : i32
      %dma_wait3A_684 = tpu.memref_slice %arg5[%add3A_676, %dma_wait3A_683] : memref<200x128xi32, #tpu.memory_space<vmem>> -> memref<1x128xi32, #tpu.memory_space<vmem>>
      %dma_wait3A_685 = tpu.memref_squeeze %dma_wait3A_684 : memref<1x128xi32, #tpu.memory_space<vmem>> -> memref<128xi32, #tpu.memory_space<vmem>>
      %dma_wait3A_686 = arith.constant 0 : i32
      %dma_wait3A_687 = arith.constant 0 : i32
      %dma_wait3A_688 = tpu.memref_slice %arg3[%dma_wait3A_686, %dma_wait3A_687] : memref<1000000x32xf32, #tpu.memory_space<hbm>> -> memref<1000000x32xf32, #tpu.memory_space<hbm>>
      %dma_wait3A_689 = tpu.memref_slice %arg7[%dma_wait3A_678] : memref<10x!tpu.dma_semaphore, #tpu.memory_space<semaphore_mem>> -> memref<1x!tpu.dma_semaphore, #tpu.memory_space<semaphore_mem>>
      %dma_wait3A_690 = tpu.memref_squeeze %dma_wait3A_689 : memref<1x!tpu.dma_semaphore, #tpu.memory_space<semaphore_mem>> -> memref<!tpu.dma_semaphore, #tpu.memory_space<semaphore_mem>>
      tpu.wait_indirect_dma semaphore(%dma_wait3A_690 : memref<!tpu.dma_semaphore, #tpu.memory_space<semaphore_mem>>) src(%dma_wait3A_688 : memref<1000000x32xf32, #tpu.memory_space<hbm>>) dst(%dma_wait3A_682 : memref<128x32xf32, #tpu.memory_space<vmem>>)
      %add3A_691 = arith.addi %mul3A_2, %add3A_676 : i32
      %mul3A_692 = arith.constant 128 : i32
      %mul3A_693 = arith.muli %add3A_691, %mul3A_692 : i32
      %dma_start3A_694 = arith.constant 7 : i32
      %dma_start3A_695 = arith.constant 7 : i32
      %dma_start3A_696 = arith.constant 0 : i32
      %dma_start3A_697 = arith.constant 0 : i32
      %dma_start3A_698 = tpu.memref_slice %arg6[%dma_start3A_694, %dma_start3A_696, %dma_start3A_697] : memref<10x128x32xf32, #tpu.memory_space<vmem>> -> memref<1x128x32xf32, #tpu.memory_space<vmem>>
      %dma_start3A_699 = tpu.memref_squeeze %dma_start3A_698 : memref<1x128x32xf32, #tpu.memory_space<vmem>> -> memref<128x32xf32, #tpu.memory_space<vmem>>
      %dma_start3A_700 = arith.constant 0 : i32
      %dma_start3A_701 = tpu.memref_slice %arg4[%mul3A_693, %dma_start3A_700] : memref<819200x32xf32, #tpu.memory_space<hbm>> -> memref<128x32xf32, #tpu.memory_space<hbm>>
      %dma_start3A_702 = tpu.memref_slice %arg8[%dma_start3A_695] : memref<10x!tpu.dma_semaphore, #tpu.memory_space<semaphore_mem>> -> memref<1x!tpu.dma_semaphore, #tpu.memory_space<semaphore_mem>>
      %dma_start3A_703 = tpu.memref_squeeze %dma_start3A_702 : memref<1x!tpu.dma_semaphore, #tpu.memory_space<semaphore_mem>> -> memref<!tpu.dma_semaphore, #tpu.memory_space<semaphore_mem>>
      %dma_start3A_704 = arith.constant 0 : i32
      %dma_start3A_705 = tpu.memref_slice %arg4[%mul3A_693, %dma_start3A_704] : memref<819200x32xf32, #tpu.memory_space<hbm>> -> memref<128x32xf32, #tpu.memory_space<hbm>>
      %dma_start3A_706 = arith.constant 0 : i32
      %dma_start3A_707 = arith.constant 0 : i32
      %dma_start3A_708 = tpu.memref_slice %arg6[%dma_start3A_694, %dma_start3A_706, %dma_start3A_707] : memref<10x128x32xf32, #tpu.memory_space<vmem>> -> memref<1x128x32xf32, #tpu.memory_space<vmem>>
      %dma_start3A_709 = tpu.memref_squeeze %dma_start3A_708 : memref<1x128x32xf32, #tpu.memory_space<vmem>> -> memref<128x32xf32, #tpu.memory_space<vmem>>
      tpu.enqueue_dma source(%dma_start3A_709 : memref<128x32xf32, #tpu.memory_space<vmem>>) target(%dma_start3A_705 : memref<128x32xf32, #tpu.memory_space<hbm>>) target_semaphore(%dma_start3A_703 : memref<!tpu.dma_semaphore, #tpu.memory_space<semaphore_mem>>)
      %add3A_710 = arith.constant 8 : i32
      %add3A_711 = arith.addi %add3A_676, %add3A_710 : i32
      %lt3A_712 = arith.constant 200 : i32
      %lt3A_713 = arith.cmpi slt, %add3A_711, %lt3A_712 : i32
      %ge3A_714 = arith.constant 10 : i32
      %ge3A_715 = arith.cmpi sge, %add3A_711, %ge3A_714 : i32
      %and3A_716 = arith.andi %lt3A_713, %ge3A_715 : i1
      %convert_element_type3A_717 = arith.extui %and3A_716 : i1 to i32
      %cond3A_718 = arith.constant 0 : i32
      %cond3A_719 = arith.cmpi ne, %convert_element_type3A_717, %cond3A_718 : i32
      scf.if %cond3A_719 {
        %sub3A = arith.constant 10 : i32
        %sub3A_825 = arith.subi %add3A_711, %sub3A : i32
        %add3A_826 = arith.addi %mul3A_2, %sub3A_825 : i32
        %mul3A_827 = arith.constant 128 : i32
        %mul3A_828 = arith.muli %add3A_826, %mul3A_827 : i32
        %dma_wait3A_829 = arith.constant 5 : i32
        %dma_wait3A_830 = arith.constant 5 : i32
        %dma_wait3A_831 = arith.constant 0 : i32
        %dma_wait3A_832 = arith.constant 0 : i32
        %dma_wait3A_833 = tpu.memref_slice %arg6[%dma_wait3A_829, %dma_wait3A_831, %dma_wait3A_832] : memref<10x128x32xf32, #tpu.memory_space<vmem>> -> memref<1x128x32xf32, #tpu.memory_space<vmem>>
        %dma_wait3A_834 = tpu.memref_squeeze %dma_wait3A_833 : memref<1x128x32xf32, #tpu.memory_space<vmem>> -> memref<128x32xf32, #tpu.memory_space<vmem>>
        %dma_wait3A_835 = arith.constant 0 : i32
        %dma_wait3A_836 = tpu.memref_slice %arg4[%mul3A_828, %dma_wait3A_835] : memref<819200x32xf32, #tpu.memory_space<hbm>> -> memref<128x32xf32, #tpu.memory_space<hbm>>
        %dma_wait3A_837 = tpu.memref_slice %arg8[%dma_wait3A_830] : memref<10x!tpu.dma_semaphore, #tpu.memory_space<semaphore_mem>> -> memref<1x!tpu.dma_semaphore, #tpu.memory_space<semaphore_mem>>
        %dma_wait3A_838 = tpu.memref_squeeze %dma_wait3A_837 : memref<1x!tpu.dma_semaphore, #tpu.memory_space<semaphore_mem>> -> memref<!tpu.dma_semaphore, #tpu.memory_space<semaphore_mem>>
        %dma_wait3A_839 = arith.constant 0 : i32
        %dma_wait3A_840 = tpu.memref_slice %arg4[%mul3A_828, %dma_wait3A_839] : memref<819200x32xf32, #tpu.memory_space<hbm>> -> memref<128x32xf32, #tpu.memory_space<hbm>>
        %dma_wait3A_841 = arith.constant 0 : i32
        %dma_wait3A_842 = arith.constant 0 : i32
        %dma_wait3A_843 = tpu.memref_slice %arg6[%dma_wait3A_829, %dma_wait3A_841, %dma_wait3A_842] : memref<10x128x32xf32, #tpu.memory_space<vmem>> -> memref<1x128x32xf32, #tpu.memory_space<vmem>>
        %dma_wait3A_844 = tpu.memref_squeeze %dma_wait3A_843 : memref<1x128x32xf32, #tpu.memory_space<vmem>> -> memref<128x32xf32, #tpu.memory_space<vmem>>
        tpu.wait_dma2 semaphore(%dma_wait3A_838 : memref<!tpu.dma_semaphore, #tpu.memory_space<semaphore_mem>>) src(%dma_wait3A_844 : memref<128x32xf32, #tpu.memory_space<vmem>>) dst(%dma_wait3A_840 : memref<128x32xf32, #tpu.memory_space<hbm>>)
      } else {
      }
      %lt3A_720 = arith.constant 200 : i32
      %lt3A_721 = arith.cmpi slt, %add3A_711, %lt3A_720 : i32
      %convert_element_type3A_722 = arith.extui %lt3A_721 : i1 to i32
      %cond3A_723 = arith.constant 0 : i32
      %cond3A_724 = arith.cmpi ne, %convert_element_type3A_722, %cond3A_723 : i32
      scf.if %cond3A_724 {
        %dma_start3A_825 = arith.constant 5 : i32
        %dma_start3A_826 = arith.constant 5 : i32
        %dma_start3A_827 = arith.constant 0 : i32
        %dma_start3A_828 = arith.constant 0 : i32
        %dma_start3A_829 = tpu.memref_slice %arg6[%dma_start3A_825, %dma_start3A_827, %dma_start3A_828] : memref<10x128x32xf32, #tpu.memory_space<vmem>> -> memref<1x128x32xf32, #tpu.memory_space<vmem>>
        %dma_start3A_830 = tpu.memref_squeeze %dma_start3A_829 : memref<1x128x32xf32, #tpu.memory_space<vmem>> -> memref<128x32xf32, #tpu.memory_space<vmem>>
        %dma_start3A_831 = arith.constant 0 : i32
        %dma_start3A_832 = tpu.memref_slice %arg5[%add3A_711, %dma_start3A_831] : memref<200x128xi32, #tpu.memory_space<vmem>> -> memref<1x128xi32, #tpu.memory_space<vmem>>
        %dma_start3A_833 = tpu.memref_squeeze %dma_start3A_832 : memref<1x128xi32, #tpu.memory_space<vmem>> -> memref<128xi32, #tpu.memory_space<vmem>>
        %dma_start3A_834 = arith.constant 0 : i32
        %dma_start3A_835 = arith.constant 0 : i32
        %dma_start3A_836 = tpu.memref_slice %arg3[%dma_start3A_834, %dma_start3A_835] : memref<1000000x32xf32, #tpu.memory_space<hbm>> -> memref<1000000x32xf32, #tpu.memory_space<hbm>>
        %dma_start3A_837 = tpu.memref_slice %arg7[%dma_start3A_826] : memref<10x!tpu.dma_semaphore, #tpu.memory_space<semaphore_mem>> -> memref<1x!tpu.dma_semaphore, #tpu.memory_space<semaphore_mem>>
        %dma_start3A_838 = tpu.memref_squeeze %dma_start3A_837 : memref<1x!tpu.dma_semaphore, #tpu.memory_space<semaphore_mem>> -> memref<!tpu.dma_semaphore, #tpu.memory_space<semaphore_mem>>
        tpu.enqueue_indirect_dma source(%dma_start3A_836 : memref<1000000x32xf32, #tpu.memory_space<hbm>>) target(%dma_start3A_830 : memref<128x32xf32, #tpu.memory_space<vmem>>) offsets(%dma_start3A_833 : memref<128xi32, #tpu.memory_space<vmem>>) semaphore(%dma_start3A_838 : memref<!tpu.dma_semaphore, #tpu.memory_space<semaphore_mem>>)
      } else {
      }
      %add3A_725 = arith.constant 8 : i32
      %add3A_726 = arith.addi %add3A_329, %add3A_725 : i32
      %dma_wait3A_727 = arith.constant 8 : i32
      %dma_wait3A_728 = arith.constant 8 : i32
      %dma_wait3A_729 = arith.constant 0 : i32
      %dma_wait3A_730 = arith.constant 0 : i32
      %dma_wait3A_731 = tpu.memref_slice %arg6[%dma_wait3A_727, %dma_wait3A_729, %dma_wait3A_730] : memref<10x128x32xf32, #tpu.memory_space<vmem>> -> memref<1x128x32xf32, #tpu.memory_space<vmem>>
      %dma_wait3A_732 = tpu.memref_squeeze %dma_wait3A_731 : memref<1x128x32xf32, #tpu.memory_space<vmem>> -> memref<128x32xf32, #tpu.memory_space<vmem>>
      %dma_wait3A_733 = arith.constant 0 : i32
      %dma_wait3A_734 = tpu.memref_slice %arg5[%add3A_726, %dma_wait3A_733] : memref<200x128xi32, #tpu.memory_space<vmem>> -> memref<1x128xi32, #tpu.memory_space<vmem>>
      %dma_wait3A_735 = tpu.memref_squeeze %dma_wait3A_734 : memref<1x128xi32, #tpu.memory_space<vmem>> -> memref<128xi32, #tpu.memory_space<vmem>>
      %dma_wait3A_736 = arith.constant 0 : i32
      %dma_wait3A_737 = arith.constant 0 : i32
      %dma_wait3A_738 = tpu.memref_slice %arg3[%dma_wait3A_736, %dma_wait3A_737] : memref<1000000x32xf32, #tpu.memory_space<hbm>> -> memref<1000000x32xf32, #tpu.memory_space<hbm>>
      %dma_wait3A_739 = tpu.memref_slice %arg7[%dma_wait3A_728] : memref<10x!tpu.dma_semaphore, #tpu.memory_space<semaphore_mem>> -> memref<1x!tpu.dma_semaphore, #tpu.memory_space<semaphore_mem>>
      %dma_wait3A_740 = tpu.memref_squeeze %dma_wait3A_739 : memref<1x!tpu.dma_semaphore, #tpu.memory_space<semaphore_mem>> -> memref<!tpu.dma_semaphore, #tpu.memory_space<semaphore_mem>>
      tpu.wait_indirect_dma semaphore(%dma_wait3A_740 : memref<!tpu.dma_semaphore, #tpu.memory_space<semaphore_mem>>) src(%dma_wait3A_738 : memref<1000000x32xf32, #tpu.memory_space<hbm>>) dst(%dma_wait3A_732 : memref<128x32xf32, #tpu.memory_space<vmem>>)
      %add3A_741 = arith.addi %mul3A_2, %add3A_726 : i32
      %mul3A_742 = arith.constant 128 : i32
      %mul3A_743 = arith.muli %add3A_741, %mul3A_742 : i32
      %dma_start3A_744 = arith.constant 8 : i32
      %dma_start3A_745 = arith.constant 8 : i32
      %dma_start3A_746 = arith.constant 0 : i32
      %dma_start3A_747 = arith.constant 0 : i32
      %dma_start3A_748 = tpu.memref_slice %arg6[%dma_start3A_744, %dma_start3A_746, %dma_start3A_747] : memref<10x128x32xf32, #tpu.memory_space<vmem>> -> memref<1x128x32xf32, #tpu.memory_space<vmem>>
      %dma_start3A_749 = tpu.memref_squeeze %dma_start3A_748 : memref<1x128x32xf32, #tpu.memory_space<vmem>> -> memref<128x32xf32, #tpu.memory_space<vmem>>
      %dma_start3A_750 = arith.constant 0 : i32
      %dma_start3A_751 = tpu.memref_slice %arg4[%mul3A_743, %dma_start3A_750] : memref<819200x32xf32, #tpu.memory_space<hbm>> -> memref<128x32xf32, #tpu.memory_space<hbm>>
      %dma_start3A_752 = tpu.memref_slice %arg8[%dma_start3A_745] : memref<10x!tpu.dma_semaphore, #tpu.memory_space<semaphore_mem>> -> memref<1x!tpu.dma_semaphore, #tpu.memory_space<semaphore_mem>>
      %dma_start3A_753 = tpu.memref_squeeze %dma_start3A_752 : memref<1x!tpu.dma_semaphore, #tpu.memory_space<semaphore_mem>> -> memref<!tpu.dma_semaphore, #tpu.memory_space<semaphore_mem>>
      %dma_start3A_754 = arith.constant 0 : i32
      %dma_start3A_755 = tpu.memref_slice %arg4[%mul3A_743, %dma_start3A_754] : memref<819200x32xf32, #tpu.memory_space<hbm>> -> memref<128x32xf32, #tpu.memory_space<hbm>>
      %dma_start3A_756 = arith.constant 0 : i32
      %dma_start3A_757 = arith.constant 0 : i32
      %dma_start3A_758 = tpu.memref_slice %arg6[%dma_start3A_744, %dma_start3A_756, %dma_start3A_757] : memref<10x128x32xf32, #tpu.memory_space<vmem>> -> memref<1x128x32xf32, #tpu.memory_space<vmem>>
      %dma_start3A_759 = tpu.memref_squeeze %dma_start3A_758 : memref<1x128x32xf32, #tpu.memory_space<vmem>> -> memref<128x32xf32, #tpu.memory_space<vmem>>
      tpu.enqueue_dma source(%dma_start3A_759 : memref<128x32xf32, #tpu.memory_space<vmem>>) target(%dma_start3A_755 : memref<128x32xf32, #tpu.memory_space<hbm>>) target_semaphore(%dma_start3A_753 : memref<!tpu.dma_semaphore, #tpu.memory_space<semaphore_mem>>)
      %add3A_760 = arith.constant 8 : i32
      %add3A_761 = arith.addi %add3A_726, %add3A_760 : i32
      %lt3A_762 = arith.constant 200 : i32
      %lt3A_763 = arith.cmpi slt, %add3A_761, %lt3A_762 : i32
      %ge3A_764 = arith.constant 10 : i32
      %ge3A_765 = arith.cmpi sge, %add3A_761, %ge3A_764 : i32
      %and3A_766 = arith.andi %lt3A_763, %ge3A_765 : i1
      %convert_element_type3A_767 = arith.extui %and3A_766 : i1 to i32
      %cond3A_768 = arith.constant 0 : i32
      %cond3A_769 = arith.cmpi ne, %convert_element_type3A_767, %cond3A_768 : i32
      scf.if %cond3A_769 {
        %sub3A = arith.constant 10 : i32
        %sub3A_825 = arith.subi %add3A_761, %sub3A : i32
        %add3A_826 = arith.addi %mul3A_2, %sub3A_825 : i32
        %mul3A_827 = arith.constant 128 : i32
        %mul3A_828 = arith.muli %add3A_826, %mul3A_827 : i32
        %dma_wait3A_829 = arith.constant 6 : i32
        %dma_wait3A_830 = arith.constant 6 : i32
        %dma_wait3A_831 = arith.constant 0 : i32
        %dma_wait3A_832 = arith.constant 0 : i32
        %dma_wait3A_833 = tpu.memref_slice %arg6[%dma_wait3A_829, %dma_wait3A_831, %dma_wait3A_832] : memref<10x128x32xf32, #tpu.memory_space<vmem>> -> memref<1x128x32xf32, #tpu.memory_space<vmem>>
        %dma_wait3A_834 = tpu.memref_squeeze %dma_wait3A_833 : memref<1x128x32xf32, #tpu.memory_space<vmem>> -> memref<128x32xf32, #tpu.memory_space<vmem>>
        %dma_wait3A_835 = arith.constant 0 : i32
        %dma_wait3A_836 = tpu.memref_slice %arg4[%mul3A_828, %dma_wait3A_835] : memref<819200x32xf32, #tpu.memory_space<hbm>> -> memref<128x32xf32, #tpu.memory_space<hbm>>
        %dma_wait3A_837 = tpu.memref_slice %arg8[%dma_wait3A_830] : memref<10x!tpu.dma_semaphore, #tpu.memory_space<semaphore_mem>> -> memref<1x!tpu.dma_semaphore, #tpu.memory_space<semaphore_mem>>
        %dma_wait3A_838 = tpu.memref_squeeze %dma_wait3A_837 : memref<1x!tpu.dma_semaphore, #tpu.memory_space<semaphore_mem>> -> memref<!tpu.dma_semaphore, #tpu.memory_space<semaphore_mem>>
        %dma_wait3A_839 = arith.constant 0 : i32
        %dma_wait3A_840 = tpu.memref_slice %arg4[%mul3A_828, %dma_wait3A_839] : memref<819200x32xf32, #tpu.memory_space<hbm>> -> memref<128x32xf32, #tpu.memory_space<hbm>>
        %dma_wait3A_841 = arith.constant 0 : i32
        %dma_wait3A_842 = arith.constant 0 : i32
        %dma_wait3A_843 = tpu.memref_slice %arg6[%dma_wait3A_829, %dma_wait3A_841, %dma_wait3A_842] : memref<10x128x32xf32, #tpu.memory_space<vmem>> -> memref<1x128x32xf32, #tpu.memory_space<vmem>>
        %dma_wait3A_844 = tpu.memref_squeeze %dma_wait3A_843 : memref<1x128x32xf32, #tpu.memory_space<vmem>> -> memref<128x32xf32, #tpu.memory_space<vmem>>
        tpu.wait_dma2 semaphore(%dma_wait3A_838 : memref<!tpu.dma_semaphore, #tpu.memory_space<semaphore_mem>>) src(%dma_wait3A_844 : memref<128x32xf32, #tpu.memory_space<vmem>>) dst(%dma_wait3A_840 : memref<128x32xf32, #tpu.memory_space<hbm>>)
      } else {
      }
      %lt3A_770 = arith.constant 200 : i32
      %lt3A_771 = arith.cmpi slt, %add3A_761, %lt3A_770 : i32
      %convert_element_type3A_772 = arith.extui %lt3A_771 : i1 to i32
      %cond3A_773 = arith.constant 0 : i32
      %cond3A_774 = arith.cmpi ne, %convert_element_type3A_772, %cond3A_773 : i32
      scf.if %cond3A_774 {
        %dma_start3A_825 = arith.constant 6 : i32
        %dma_start3A_826 = arith.constant 6 : i32
        %dma_start3A_827 = arith.constant 0 : i32
        %dma_start3A_828 = arith.constant 0 : i32
        %dma_start3A_829 = tpu.memref_slice %arg6[%dma_start3A_825, %dma_start3A_827, %dma_start3A_828] : memref<10x128x32xf32, #tpu.memory_space<vmem>> -> memref<1x128x32xf32, #tpu.memory_space<vmem>>
        %dma_start3A_830 = tpu.memref_squeeze %dma_start3A_829 : memref<1x128x32xf32, #tpu.memory_space<vmem>> -> memref<128x32xf32, #tpu.memory_space<vmem>>
        %dma_start3A_831 = arith.constant 0 : i32
        %dma_start3A_832 = tpu.memref_slice %arg5[%add3A_761, %dma_start3A_831] : memref<200x128xi32, #tpu.memory_space<vmem>> -> memref<1x128xi32, #tpu.memory_space<vmem>>
        %dma_start3A_833 = tpu.memref_squeeze %dma_start3A_832 : memref<1x128xi32, #tpu.memory_space<vmem>> -> memref<128xi32, #tpu.memory_space<vmem>>
        %dma_start3A_834 = arith.constant 0 : i32
        %dma_start3A_835 = arith.constant 0 : i32
        %dma_start3A_836 = tpu.memref_slice %arg3[%dma_start3A_834, %dma_start3A_835] : memref<1000000x32xf32, #tpu.memory_space<hbm>> -> memref<1000000x32xf32, #tpu.memory_space<hbm>>
        %dma_start3A_837 = tpu.memref_slice %arg7[%dma_start3A_826] : memref<10x!tpu.dma_semaphore, #tpu.memory_space<semaphore_mem>> -> memref<1x!tpu.dma_semaphore, #tpu.memory_space<semaphore_mem>>
        %dma_start3A_838 = tpu.memref_squeeze %dma_start3A_837 : memref<1x!tpu.dma_semaphore, #tpu.memory_space<semaphore_mem>> -> memref<!tpu.dma_semaphore, #tpu.memory_space<semaphore_mem>>
        tpu.enqueue_indirect_dma source(%dma_start3A_836 : memref<1000000x32xf32, #tpu.memory_space<hbm>>) target(%dma_start3A_830 : memref<128x32xf32, #tpu.memory_space<vmem>>) offsets(%dma_start3A_833 : memref<128xi32, #tpu.memory_space<vmem>>) semaphore(%dma_start3A_838 : memref<!tpu.dma_semaphore, #tpu.memory_space<semaphore_mem>>)
      } else {
      }
      %add3A_775 = arith.constant 9 : i32
      %add3A_776 = arith.addi %add3A_329, %add3A_775 : i32
      %dma_wait3A_777 = arith.constant 9 : i32
      %dma_wait3A_778 = arith.constant 9 : i32
      %dma_wait3A_779 = arith.constant 0 : i32
      %dma_wait3A_780 = arith.constant 0 : i32
      %dma_wait3A_781 = tpu.memref_slice %arg6[%dma_wait3A_777, %dma_wait3A_779, %dma_wait3A_780] : memref<10x128x32xf32, #tpu.memory_space<vmem>> -> memref<1x128x32xf32, #tpu.memory_space<vmem>>
      %dma_wait3A_782 = tpu.memref_squeeze %dma_wait3A_781 : memref<1x128x32xf32, #tpu.memory_space<vmem>> -> memref<128x32xf32, #tpu.memory_space<vmem>>
      %dma_wait3A_783 = arith.constant 0 : i32
      %dma_wait3A_784 = tpu.memref_slice %arg5[%add3A_776, %dma_wait3A_783] : memref<200x128xi32, #tpu.memory_space<vmem>> -> memref<1x128xi32, #tpu.memory_space<vmem>>
      %dma_wait3A_785 = tpu.memref_squeeze %dma_wait3A_784 : memref<1x128xi32, #tpu.memory_space<vmem>> -> memref<128xi32, #tpu.memory_space<vmem>>
      %dma_wait3A_786 = arith.constant 0 : i32
      %dma_wait3A_787 = arith.constant 0 : i32
      %dma_wait3A_788 = tpu.memref_slice %arg3[%dma_wait3A_786, %dma_wait3A_787] : memref<1000000x32xf32, #tpu.memory_space<hbm>> -> memref<1000000x32xf32, #tpu.memory_space<hbm>>
      %dma_wait3A_789 = tpu.memref_slice %arg7[%dma_wait3A_778] : memref<10x!tpu.dma_semaphore, #tpu.memory_space<semaphore_mem>> -> memref<1x!tpu.dma_semaphore, #tpu.memory_space<semaphore_mem>>
      %dma_wait3A_790 = tpu.memref_squeeze %dma_wait3A_789 : memref<1x!tpu.dma_semaphore, #tpu.memory_space<semaphore_mem>> -> memref<!tpu.dma_semaphore, #tpu.memory_space<semaphore_mem>>
      tpu.wait_indirect_dma semaphore(%dma_wait3A_790 : memref<!tpu.dma_semaphore, #tpu.memory_space<semaphore_mem>>) src(%dma_wait3A_788 : memref<1000000x32xf32, #tpu.memory_space<hbm>>) dst(%dma_wait3A_782 : memref<128x32xf32, #tpu.memory_space<vmem>>)
      %add3A_791 = arith.addi %mul3A_2, %add3A_776 : i32
      %mul3A_792 = arith.constant 128 : i32
      %mul3A_793 = arith.muli %add3A_791, %mul3A_792 : i32
      %dma_start3A_794 = arith.constant 9 : i32
      %dma_start3A_795 = arith.constant 9 : i32
      %dma_start3A_796 = arith.constant 0 : i32
      %dma_start3A_797 = arith.constant 0 : i32
      %dma_start3A_798 = tpu.memref_slice %arg6[%dma_start3A_794, %dma_start3A_796, %dma_start3A_797] : memref<10x128x32xf32, #tpu.memory_space<vmem>> -> memref<1x128x32xf32, #tpu.memory_space<vmem>>
      %dma_start3A_799 = tpu.memref_squeeze %dma_start3A_798 : memref<1x128x32xf32, #tpu.memory_space<vmem>> -> memref<128x32xf32, #tpu.memory_space<vmem>>
      %dma_start3A_800 = arith.constant 0 : i32
      %dma_start3A_801 = tpu.memref_slice %arg4[%mul3A_793, %dma_start3A_800] : memref<819200x32xf32, #tpu.memory_space<hbm>> -> memref<128x32xf32, #tpu.memory_space<hbm>>
      %dma_start3A_802 = tpu.memref_slice %arg8[%dma_start3A_795] : memref<10x!tpu.dma_semaphore, #tpu.memory_space<semaphore_mem>> -> memref<1x!tpu.dma_semaphore, #tpu.memory_space<semaphore_mem>>
      %dma_start3A_803 = tpu.memref_squeeze %dma_start3A_802 : memref<1x!tpu.dma_semaphore, #tpu.memory_space<semaphore_mem>> -> memref<!tpu.dma_semaphore, #tpu.memory_space<semaphore_mem>>
      %dma_start3A_804 = arith.constant 0 : i32
      %dma_start3A_805 = tpu.memref_slice %arg4[%mul3A_793, %dma_start3A_804] : memref<819200x32xf32, #tpu.memory_space<hbm>> -> memref<128x32xf32, #tpu.memory_space<hbm>>
      %dma_start3A_806 = arith.constant 0 : i32
      %dma_start3A_807 = arith.constant 0 : i32
      %dma_start3A_808 = tpu.memref_slice %arg6[%dma_start3A_794, %dma_start3A_806, %dma_start3A_807] : memref<10x128x32xf32, #tpu.memory_space<vmem>> -> memref<1x128x32xf32, #tpu.memory_space<vmem>>
      %dma_start3A_809 = tpu.memref_squeeze %dma_start3A_808 : memref<1x128x32xf32, #tpu.memory_space<vmem>> -> memref<128x32xf32, #tpu.memory_space<vmem>>
      tpu.enqueue_dma source(%dma_start3A_809 : memref<128x32xf32, #tpu.memory_space<vmem>>) target(%dma_start3A_805 : memref<128x32xf32, #tpu.memory_space<hbm>>) target_semaphore(%dma_start3A_803 : memref<!tpu.dma_semaphore, #tpu.memory_space<semaphore_mem>>)
      %add3A_810 = arith.constant 8 : i32
      %add3A_811 = arith.addi %add3A_776, %add3A_810 : i32
      %lt3A_812 = arith.constant 200 : i32
      %lt3A_813 = arith.cmpi slt, %add3A_811, %lt3A_812 : i32
      %ge3A_814 = arith.constant 10 : i32
      %ge3A_815 = arith.cmpi sge, %add3A_811, %ge3A_814 : i32
      %and3A_816 = arith.andi %lt3A_813, %ge3A_815 : i1
      %convert_element_type3A_817 = arith.extui %and3A_816 : i1 to i32
      %cond3A_818 = arith.constant 0 : i32
      %cond3A_819 = arith.cmpi ne, %convert_element_type3A_817, %cond3A_818 : i32
      scf.if %cond3A_819 {
        %sub3A = arith.constant 10 : i32
        %sub3A_825 = arith.subi %add3A_811, %sub3A : i32
        %add3A_826 = arith.addi %mul3A_2, %sub3A_825 : i32
        %mul3A_827 = arith.constant 128 : i32
        %mul3A_828 = arith.muli %add3A_826, %mul3A_827 : i32
        %dma_wait3A_829 = arith.constant 7 : i32
        %dma_wait3A_830 = arith.constant 7 : i32
        %dma_wait3A_831 = arith.constant 0 : i32
        %dma_wait3A_832 = arith.constant 0 : i32
        %dma_wait3A_833 = tpu.memref_slice %arg6[%dma_wait3A_829, %dma_wait3A_831, %dma_wait3A_832] : memref<10x128x32xf32, #tpu.memory_space<vmem>> -> memref<1x128x32xf32, #tpu.memory_space<vmem>>
        %dma_wait3A_834 = tpu.memref_squeeze %dma_wait3A_833 : memref<1x128x32xf32, #tpu.memory_space<vmem>> -> memref<128x32xf32, #tpu.memory_space<vmem>>
        %dma_wait3A_835 = arith.constant 0 : i32
        %dma_wait3A_836 = tpu.memref_slice %arg4[%mul3A_828, %dma_wait3A_835] : memref<819200x32xf32, #tpu.memory_space<hbm>> -> memref<128x32xf32, #tpu.memory_space<hbm>>
        %dma_wait3A_837 = tpu.memref_slice %arg8[%dma_wait3A_830] : memref<10x!tpu.dma_semaphore, #tpu.memory_space<semaphore_mem>> -> memref<1x!tpu.dma_semaphore, #tpu.memory_space<semaphore_mem>>
        %dma_wait3A_838 = tpu.memref_squeeze %dma_wait3A_837 : memref<1x!tpu.dma_semaphore, #tpu.memory_space<semaphore_mem>> -> memref<!tpu.dma_semaphore, #tpu.memory_space<semaphore_mem>>
        %dma_wait3A_839 = arith.constant 0 : i32
        %dma_wait3A_840 = tpu.memref_slice %arg4[%mul3A_828, %dma_wait3A_839] : memref<819200x32xf32, #tpu.memory_space<hbm>> -> memref<128x32xf32, #tpu.memory_space<hbm>>
        %dma_wait3A_841 = arith.constant 0 : i32
        %dma_wait3A_842 = arith.constant 0 : i32
        %dma_wait3A_843 = tpu.memref_slice %arg6[%dma_wait3A_829, %dma_wait3A_841, %dma_wait3A_842] : memref<10x128x32xf32, #tpu.memory_space<vmem>> -> memref<1x128x32xf32, #tpu.memory_space<vmem>>
        %dma_wait3A_844 = tpu.memref_squeeze %dma_wait3A_843 : memref<1x128x32xf32, #tpu.memory_space<vmem>> -> memref<128x32xf32, #tpu.memory_space<vmem>>
        tpu.wait_dma2 semaphore(%dma_wait3A_838 : memref<!tpu.dma_semaphore, #tpu.memory_space<semaphore_mem>>) src(%dma_wait3A_844 : memref<128x32xf32, #tpu.memory_space<vmem>>) dst(%dma_wait3A_840 : memref<128x32xf32, #tpu.memory_space<hbm>>)
      } else {
      }
      %lt3A_820 = arith.constant 200 : i32
      %lt3A_821 = arith.cmpi slt, %add3A_811, %lt3A_820 : i32
      %convert_element_type3A_822 = arith.extui %lt3A_821 : i1 to i32
      %cond3A_823 = arith.constant 0 : i32
      %cond3A_824 = arith.cmpi ne, %convert_element_type3A_822, %cond3A_823 : i32
      scf.if %cond3A_824 {
        %dma_start3A_825 = arith.constant 7 : i32
        %dma_start3A_826 = arith.constant 7 : i32
        %dma_start3A_827 = arith.constant 0 : i32
        %dma_start3A_828 = arith.constant 0 : i32
        %dma_start3A_829 = tpu.memref_slice %arg6[%dma_start3A_825, %dma_start3A_827, %dma_start3A_828] : memref<10x128x32xf32, #tpu.memory_space<vmem>> -> memref<1x128x32xf32, #tpu.memory_space<vmem>>
        %dma_start3A_830 = tpu.memref_squeeze %dma_start3A_829 : memref<1x128x32xf32, #tpu.memory_space<vmem>> -> memref<128x32xf32, #tpu.memory_space<vmem>>
        %dma_start3A_831 = arith.constant 0 : i32
        %dma_start3A_832 = tpu.memref_slice %arg5[%add3A_811, %dma_start3A_831] : memref<200x128xi32, #tpu.memory_space<vmem>> -> memref<1x128xi32, #tpu.memory_space<vmem>>
        %dma_start3A_833 = tpu.memref_squeeze %dma_start3A_832 : memref<1x128xi32, #tpu.memory_space<vmem>> -> memref<128xi32, #tpu.memory_space<vmem>>
        %dma_start3A_834 = arith.constant 0 : i32
        %dma_start3A_835 = arith.constant 0 : i32
        %dma_start3A_836 = tpu.memref_slice %arg3[%dma_start3A_834, %dma_start3A_835] : memref<1000000x32xf32, #tpu.memory_space<hbm>> -> memref<1000000x32xf32, #tpu.memory_space<hbm>>
        %dma_start3A_837 = tpu.memref_slice %arg7[%dma_start3A_826] : memref<10x!tpu.dma_semaphore, #tpu.memory_space<semaphore_mem>> -> memref<1x!tpu.dma_semaphore, #tpu.memory_space<semaphore_mem>>
        %dma_start3A_838 = tpu.memref_squeeze %dma_start3A_837 : memref<1x!tpu.dma_semaphore, #tpu.memory_space<semaphore_mem>> -> memref<!tpu.dma_semaphore, #tpu.memory_space<semaphore_mem>>
        tpu.enqueue_indirect_dma source(%dma_start3A_836 : memref<1000000x32xf32, #tpu.memory_space<hbm>>) target(%dma_start3A_830 : memref<128x32xf32, #tpu.memory_space<vmem>>) offsets(%dma_start3A_833 : memref<128xi32, #tpu.memory_space<vmem>>) semaphore(%dma_start3A_838 : memref<!tpu.dma_semaphore, #tpu.memory_space<semaphore_mem>>)
      } else {
      }
    }
    %scan3A_125 = arith.constant 20 : i32
    %add3A_126 = arith.constant 190 : i32
    %add3A_127 = arith.addi %mul3A_2, %add3A_126 : i32
    %mul3A_128 = arith.constant 128 : i32
    %mul3A_129 = arith.muli %add3A_127, %mul3A_128 : i32
    %dma_wait3A = arith.constant 0 : i32
    %dma_wait3A_130 = arith.constant 0 : i32
    %dma_wait3A_131 = arith.constant 0 : i32
    %dma_wait3A_132 = arith.constant 0 : i32
    %dma_wait3A_133 = tpu.memref_slice %arg6[%dma_wait3A, %dma_wait3A_131, %dma_wait3A_132] : memref<10x128x32xf32, #tpu.memory_space<vmem>> -> memref<1x128x32xf32, #tpu.memory_space<vmem>>
    %dma_wait3A_134 = tpu.memref_squeeze %dma_wait3A_133 : memref<1x128x32xf32, #tpu.memory_space<vmem>> -> memref<128x32xf32, #tpu.memory_space<vmem>>
    %dma_wait3A_135 = arith.constant 0 : i32
    %dma_wait3A_136 = tpu.memref_slice %arg4[%mul3A_129, %dma_wait3A_135] : memref<819200x32xf32, #tpu.memory_space<hbm>> -> memref<128x32xf32, #tpu.memory_space<hbm>>
    %dma_wait3A_137 = tpu.memref_slice %arg8[%dma_wait3A_130] : memref<10x!tpu.dma_semaphore, #tpu.memory_space<semaphore_mem>> -> memref<1x!tpu.dma_semaphore, #tpu.memory_space<semaphore_mem>>
    %dma_wait3A_138 = tpu.memref_squeeze %dma_wait3A_137 : memref<1x!tpu.dma_semaphore, #tpu.memory_space<semaphore_mem>> -> memref<!tpu.dma_semaphore, #tpu.memory_space<semaphore_mem>>
    %dma_wait3A_139 = arith.constant 0 : i32
    %dma_wait3A_140 = tpu.memref_slice %arg4[%mul3A_129, %dma_wait3A_139] : memref<819200x32xf32, #tpu.memory_space<hbm>> -> memref<128x32xf32, #tpu.memory_space<hbm>>
    %dma_wait3A_141 = arith.constant 0 : i32
    %dma_wait3A_142 = arith.constant 0 : i32
    %dma_wait3A_143 = tpu.memref_slice %arg6[%dma_wait3A, %dma_wait3A_141, %dma_wait3A_142] : memref<10x128x32xf32, #tpu.memory_space<vmem>> -> memref<1x128x32xf32, #tpu.memory_space<vmem>>
    %dma_wait3A_144 = tpu.memref_squeeze %dma_wait3A_143 : memref<1x128x32xf32, #tpu.memory_space<vmem>> -> memref<128x32xf32, #tpu.memory_space<vmem>>
    tpu.wait_dma2 semaphore(%dma_wait3A_138 : memref<!tpu.dma_semaphore, #tpu.memory_space<semaphore_mem>>) src(%dma_wait3A_144 : memref<128x32xf32, #tpu.memory_space<vmem>>) dst(%dma_wait3A_140 : memref<128x32xf32, #tpu.memory_space<hbm>>)
    %add3A_145 = arith.constant 191 : i32
    %add3A_146 = arith.addi %mul3A_2, %add3A_145 : i32
    %mul3A_147 = arith.constant 128 : i32
    %mul3A_148 = arith.muli %add3A_146, %mul3A_147 : i32
    %dma_wait3A_149 = arith.constant 1 : i32
    %dma_wait3A_150 = arith.constant 1 : i32
    %dma_wait3A_151 = arith.constant 0 : i32
    %dma_wait3A_152 = arith.constant 0 : i32
    %dma_wait3A_153 = tpu.memref_slice %arg6[%dma_wait3A_149, %dma_wait3A_151, %dma_wait3A_152] : memref<10x128x32xf32, #tpu.memory_space<vmem>> -> memref<1x128x32xf32, #tpu.memory_space<vmem>>
    %dma_wait3A_154 = tpu.memref_squeeze %dma_wait3A_153 : memref<1x128x32xf32, #tpu.memory_space<vmem>> -> memref<128x32xf32, #tpu.memory_space<vmem>>
    %dma_wait3A_155 = arith.constant 0 : i32
    %dma_wait3A_156 = tpu.memref_slice %arg4[%mul3A_148, %dma_wait3A_155] : memref<819200x32xf32, #tpu.memory_space<hbm>> -> memref<128x32xf32, #tpu.memory_space<hbm>>
    %dma_wait3A_157 = tpu.memref_slice %arg8[%dma_wait3A_150] : memref<10x!tpu.dma_semaphore, #tpu.memory_space<semaphore_mem>> -> memref<1x!tpu.dma_semaphore, #tpu.memory_space<semaphore_mem>>
    %dma_wait3A_158 = tpu.memref_squeeze %dma_wait3A_157 : memref<1x!tpu.dma_semaphore, #tpu.memory_space<semaphore_mem>> -> memref<!tpu.dma_semaphore, #tpu.memory_space<semaphore_mem>>
    %dma_wait3A_159 = arith.constant 0 : i32
    %dma_wait3A_160 = tpu.memref_slice %arg4[%mul3A_148, %dma_wait3A_159] : memref<819200x32xf32, #tpu.memory_space<hbm>> -> memref<128x32xf32, #tpu.memory_space<hbm>>
    %dma_wait3A_161 = arith.constant 0 : i32
    %dma_wait3A_162 = arith.constant 0 : i32
    %dma_wait3A_163 = tpu.memref_slice %arg6[%dma_wait3A_149, %dma_wait3A_161, %dma_wait3A_162] : memref<10x128x32xf32, #tpu.memory_space<vmem>> -> memref<1x128x32xf32, #tpu.memory_space<vmem>>
    %dma_wait3A_164 = tpu.memref_squeeze %dma_wait3A_163 : memref<1x128x32xf32, #tpu.memory_space<vmem>> -> memref<128x32xf32, #tpu.memory_space<vmem>>
    tpu.wait_dma2 semaphore(%dma_wait3A_158 : memref<!tpu.dma_semaphore, #tpu.memory_space<semaphore_mem>>) src(%dma_wait3A_164 : memref<128x32xf32, #tpu.memory_space<vmem>>) dst(%dma_wait3A_160 : memref<128x32xf32, #tpu.memory_space<hbm>>)
    %add3A_165 = arith.constant 192 : i32
    %add3A_166 = arith.addi %mul3A_2, %add3A_165 : i32
    %mul3A_167 = arith.constant 128 : i32
    %mul3A_168 = arith.muli %add3A_166, %mul3A_167 : i32
    %dma_wait3A_169 = arith.constant 2 : i32
    %dma_wait3A_170 = arith.constant 2 : i32
    %dma_wait3A_171 = arith.constant 0 : i32
    %dma_wait3A_172 = arith.constant 0 : i32
    %dma_wait3A_173 = tpu.memref_slice %arg6[%dma_wait3A_169, %dma_wait3A_171, %dma_wait3A_172] : memref<10x128x32xf32, #tpu.memory_space<vmem>> -> memref<1x128x32xf32, #tpu.memory_space<vmem>>
    %dma_wait3A_174 = tpu.memref_squeeze %dma_wait3A_173 : memref<1x128x32xf32, #tpu.memory_space<vmem>> -> memref<128x32xf32, #tpu.memory_space<vmem>>
    %dma_wait3A_175 = arith.constant 0 : i32
    %dma_wait3A_176 = tpu.memref_slice %arg4[%mul3A_168, %dma_wait3A_175] : memref<819200x32xf32, #tpu.memory_space<hbm>> -> memref<128x32xf32, #tpu.memory_space<hbm>>
    %dma_wait3A_177 = tpu.memref_slice %arg8[%dma_wait3A_170] : memref<10x!tpu.dma_semaphore, #tpu.memory_space<semaphore_mem>> -> memref<1x!tpu.dma_semaphore, #tpu.memory_space<semaphore_mem>>
    %dma_wait3A_178 = tpu.memref_squeeze %dma_wait3A_177 : memref<1x!tpu.dma_semaphore, #tpu.memory_space<semaphore_mem>> -> memref<!tpu.dma_semaphore, #tpu.memory_space<semaphore_mem>>
    %dma_wait3A_179 = arith.constant 0 : i32
    %dma_wait3A_180 = tpu.memref_slice %arg4[%mul3A_168, %dma_wait3A_179] : memref<819200x32xf32, #tpu.memory_space<hbm>> -> memref<128x32xf32, #tpu.memory_space<hbm>>
    %dma_wait3A_181 = arith.constant 0 : i32
    %dma_wait3A_182 = arith.constant 0 : i32
    %dma_wait3A_183 = tpu.memref_slice %arg6[%dma_wait3A_169, %dma_wait3A_181, %dma_wait3A_182] : memref<10x128x32xf32, #tpu.memory_space<vmem>> -> memref<1x128x32xf32, #tpu.memory_space<vmem>>
    %dma_wait3A_184 = tpu.memref_squeeze %dma_wait3A_183 : memref<1x128x32xf32, #tpu.memory_space<vmem>> -> memref<128x32xf32, #tpu.memory_space<vmem>>
    tpu.wait_dma2 semaphore(%dma_wait3A_178 : memref<!tpu.dma_semaphore, #tpu.memory_space<semaphore_mem>>) src(%dma_wait3A_184 : memref<128x32xf32, #tpu.memory_space<vmem>>) dst(%dma_wait3A_180 : memref<128x32xf32, #tpu.memory_space<hbm>>)
    %add3A_185 = arith.constant 193 : i32
    %add3A_186 = arith.addi %mul3A_2, %add3A_185 : i32
    %mul3A_187 = arith.constant 128 : i32
    %mul3A_188 = arith.muli %add3A_186, %mul3A_187 : i32
    %dma_wait3A_189 = arith.constant 3 : i32
    %dma_wait3A_190 = arith.constant 3 : i32
    %dma_wait3A_191 = arith.constant 0 : i32
    %dma_wait3A_192 = arith.constant 0 : i32
    %dma_wait3A_193 = tpu.memref_slice %arg6[%dma_wait3A_189, %dma_wait3A_191, %dma_wait3A_192] : memref<10x128x32xf32, #tpu.memory_space<vmem>> -> memref<1x128x32xf32, #tpu.memory_space<vmem>>
    %dma_wait3A_194 = tpu.memref_squeeze %dma_wait3A_193 : memref<1x128x32xf32, #tpu.memory_space<vmem>> -> memref<128x32xf32, #tpu.memory_space<vmem>>
    %dma_wait3A_195 = arith.constant 0 : i32
    %dma_wait3A_196 = tpu.memref_slice %arg4[%mul3A_188, %dma_wait3A_195] : memref<819200x32xf32, #tpu.memory_space<hbm>> -> memref<128x32xf32, #tpu.memory_space<hbm>>
    %dma_wait3A_197 = tpu.memref_slice %arg8[%dma_wait3A_190] : memref<10x!tpu.dma_semaphore, #tpu.memory_space<semaphore_mem>> -> memref<1x!tpu.dma_semaphore, #tpu.memory_space<semaphore_mem>>
    %dma_wait3A_198 = tpu.memref_squeeze %dma_wait3A_197 : memref<1x!tpu.dma_semaphore, #tpu.memory_space<semaphore_mem>> -> memref<!tpu.dma_semaphore, #tpu.memory_space<semaphore_mem>>
    %dma_wait3A_199 = arith.constant 0 : i32
    %dma_wait3A_200 = tpu.memref_slice %arg4[%mul3A_188, %dma_wait3A_199] : memref<819200x32xf32, #tpu.memory_space<hbm>> -> memref<128x32xf32, #tpu.memory_space<hbm>>
    %dma_wait3A_201 = arith.constant 0 : i32
    %dma_wait3A_202 = arith.constant 0 : i32
    %dma_wait3A_203 = tpu.memref_slice %arg6[%dma_wait3A_189, %dma_wait3A_201, %dma_wait3A_202] : memref<10x128x32xf32, #tpu.memory_space<vmem>> -> memref<1x128x32xf32, #tpu.memory_space<vmem>>
    %dma_wait3A_204 = tpu.memref_squeeze %dma_wait3A_203 : memref<1x128x32xf32, #tpu.memory_space<vmem>> -> memref<128x32xf32, #tpu.memory_space<vmem>>
    tpu.wait_dma2 semaphore(%dma_wait3A_198 : memref<!tpu.dma_semaphore, #tpu.memory_space<semaphore_mem>>) src(%dma_wait3A_204 : memref<128x32xf32, #tpu.memory_space<vmem>>) dst(%dma_wait3A_200 : memref<128x32xf32, #tpu.memory_space<hbm>>)
    %add3A_205 = arith.constant 194 : i32
    %add3A_206 = arith.addi %mul3A_2, %add3A_205 : i32
    %mul3A_207 = arith.constant 128 : i32
    %mul3A_208 = arith.muli %add3A_206, %mul3A_207 : i32
    %dma_wait3A_209 = arith.constant 4 : i32
    %dma_wait3A_210 = arith.constant 4 : i32
    %dma_wait3A_211 = arith.constant 0 : i32
    %dma_wait3A_212 = arith.constant 0 : i32
    %dma_wait3A_213 = tpu.memref_slice %arg6[%dma_wait3A_209, %dma_wait3A_211, %dma_wait3A_212] : memref<10x128x32xf32, #tpu.memory_space<vmem>> -> memref<1x128x32xf32, #tpu.memory_space<vmem>>
    %dma_wait3A_214 = tpu.memref_squeeze %dma_wait3A_213 : memref<1x128x32xf32, #tpu.memory_space<vmem>> -> memref<128x32xf32, #tpu.memory_space<vmem>>
    %dma_wait3A_215 = arith.constant 0 : i32
    %dma_wait3A_216 = tpu.memref_slice %arg4[%mul3A_208, %dma_wait3A_215] : memref<819200x32xf32, #tpu.memory_space<hbm>> -> memref<128x32xf32, #tpu.memory_space<hbm>>
    %dma_wait3A_217 = tpu.memref_slice %arg8[%dma_wait3A_210] : memref<10x!tpu.dma_semaphore, #tpu.memory_space<semaphore_mem>> -> memref<1x!tpu.dma_semaphore, #tpu.memory_space<semaphore_mem>>
    %dma_wait3A_218 = tpu.memref_squeeze %dma_wait3A_217 : memref<1x!tpu.dma_semaphore, #tpu.memory_space<semaphore_mem>> -> memref<!tpu.dma_semaphore, #tpu.memory_space<semaphore_mem>>
    %dma_wait3A_219 = arith.constant 0 : i32
    %dma_wait3A_220 = tpu.memref_slice %arg4[%mul3A_208, %dma_wait3A_219] : memref<819200x32xf32, #tpu.memory_space<hbm>> -> memref<128x32xf32, #tpu.memory_space<hbm>>
    %dma_wait3A_221 = arith.constant 0 : i32
    %dma_wait3A_222 = arith.constant 0 : i32
    %dma_wait3A_223 = tpu.memref_slice %arg6[%dma_wait3A_209, %dma_wait3A_221, %dma_wait3A_222] : memref<10x128x32xf32, #tpu.memory_space<vmem>> -> memref<1x128x32xf32, #tpu.memory_space<vmem>>
    %dma_wait3A_224 = tpu.memref_squeeze %dma_wait3A_223 : memref<1x128x32xf32, #tpu.memory_space<vmem>> -> memref<128x32xf32, #tpu.memory_space<vmem>>
    tpu.wait_dma2 semaphore(%dma_wait3A_218 : memref<!tpu.dma_semaphore, #tpu.memory_space<semaphore_mem>>) src(%dma_wait3A_224 : memref<128x32xf32, #tpu.memory_space<vmem>>) dst(%dma_wait3A_220 : memref<128x32xf32, #tpu.memory_space<hbm>>)
    %add3A_225 = arith.constant 195 : i32
    %add3A_226 = arith.addi %mul3A_2, %add3A_225 : i32
    %mul3A_227 = arith.constant 128 : i32
    %mul3A_228 = arith.muli %add3A_226, %mul3A_227 : i32
    %dma_wait3A_229 = arith.constant 5 : i32
    %dma_wait3A_230 = arith.constant 5 : i32
    %dma_wait3A_231 = arith.constant 0 : i32
    %dma_wait3A_232 = arith.constant 0 : i32
    %dma_wait3A_233 = tpu.memref_slice %arg6[%dma_wait3A_229, %dma_wait3A_231, %dma_wait3A_232] : memref<10x128x32xf32, #tpu.memory_space<vmem>> -> memref<1x128x32xf32, #tpu.memory_space<vmem>>
    %dma_wait3A_234 = tpu.memref_squeeze %dma_wait3A_233 : memref<1x128x32xf32, #tpu.memory_space<vmem>> -> memref<128x32xf32, #tpu.memory_space<vmem>>
    %dma_wait3A_235 = arith.constant 0 : i32
    %dma_wait3A_236 = tpu.memref_slice %arg4[%mul3A_228, %dma_wait3A_235] : memref<819200x32xf32, #tpu.memory_space<hbm>> -> memref<128x32xf32, #tpu.memory_space<hbm>>
    %dma_wait3A_237 = tpu.memref_slice %arg8[%dma_wait3A_230] : memref<10x!tpu.dma_semaphore, #tpu.memory_space<semaphore_mem>> -> memref<1x!tpu.dma_semaphore, #tpu.memory_space<semaphore_mem>>
    %dma_wait3A_238 = tpu.memref_squeeze %dma_wait3A_237 : memref<1x!tpu.dma_semaphore, #tpu.memory_space<semaphore_mem>> -> memref<!tpu.dma_semaphore, #tpu.memory_space<semaphore_mem>>
    %dma_wait3A_239 = arith.constant 0 : i32
    %dma_wait3A_240 = tpu.memref_slice %arg4[%mul3A_228, %dma_wait3A_239] : memref<819200x32xf32, #tpu.memory_space<hbm>> -> memref<128x32xf32, #tpu.memory_space<hbm>>
    %dma_wait3A_241 = arith.constant 0 : i32
    %dma_wait3A_242 = arith.constant 0 : i32
    %dma_wait3A_243 = tpu.memref_slice %arg6[%dma_wait3A_229, %dma_wait3A_241, %dma_wait3A_242] : memref<10x128x32xf32, #tpu.memory_space<vmem>> -> memref<1x128x32xf32, #tpu.memory_space<vmem>>
    %dma_wait3A_244 = tpu.memref_squeeze %dma_wait3A_243 : memref<1x128x32xf32, #tpu.memory_space<vmem>> -> memref<128x32xf32, #tpu.memory_space<vmem>>
    tpu.wait_dma2 semaphore(%dma_wait3A_238 : memref<!tpu.dma_semaphore, #tpu.memory_space<semaphore_mem>>) src(%dma_wait3A_244 : memref<128x32xf32, #tpu.memory_space<vmem>>) dst(%dma_wait3A_240 : memref<128x32xf32, #tpu.memory_space<hbm>>)
    %add3A_245 = arith.constant 196 : i32
    %add3A_246 = arith.addi %mul3A_2, %add3A_245 : i32
    %mul3A_247 = arith.constant 128 : i32
    %mul3A_248 = arith.muli %add3A_246, %mul3A_247 : i32
    %dma_wait3A_249 = arith.constant 6 : i32
    %dma_wait3A_250 = arith.constant 6 : i32
    %dma_wait3A_251 = arith.constant 0 : i32
    %dma_wait3A_252 = arith.constant 0 : i32
    %dma_wait3A_253 = tpu.memref_slice %arg6[%dma_wait3A_249, %dma_wait3A_251, %dma_wait3A_252] : memref<10x128x32xf32, #tpu.memory_space<vmem>> -> memref<1x128x32xf32, #tpu.memory_space<vmem>>
    %dma_wait3A_254 = tpu.memref_squeeze %dma_wait3A_253 : memref<1x128x32xf32, #tpu.memory_space<vmem>> -> memref<128x32xf32, #tpu.memory_space<vmem>>
    %dma_wait3A_255 = arith.constant 0 : i32
    %dma_wait3A_256 = tpu.memref_slice %arg4[%mul3A_248, %dma_wait3A_255] : memref<819200x32xf32, #tpu.memory_space<hbm>> -> memref<128x32xf32, #tpu.memory_space<hbm>>
    %dma_wait3A_257 = tpu.memref_slice %arg8[%dma_wait3A_250] : memref<10x!tpu.dma_semaphore, #tpu.memory_space<semaphore_mem>> -> memref<1x!tpu.dma_semaphore, #tpu.memory_space<semaphore_mem>>
    %dma_wait3A_258 = tpu.memref_squeeze %dma_wait3A_257 : memref<1x!tpu.dma_semaphore, #tpu.memory_space<semaphore_mem>> -> memref<!tpu.dma_semaphore, #tpu.memory_space<semaphore_mem>>
    %dma_wait3A_259 = arith.constant 0 : i32
    %dma_wait3A_260 = tpu.memref_slice %arg4[%mul3A_248, %dma_wait3A_259] : memref<819200x32xf32, #tpu.memory_space<hbm>> -> memref<128x32xf32, #tpu.memory_space<hbm>>
    %dma_wait3A_261 = arith.constant 0 : i32
    %dma_wait3A_262 = arith.constant 0 : i32
    %dma_wait3A_263 = tpu.memref_slice %arg6[%dma_wait3A_249, %dma_wait3A_261, %dma_wait3A_262] : memref<10x128x32xf32, #tpu.memory_space<vmem>> -> memref<1x128x32xf32, #tpu.memory_space<vmem>>
    %dma_wait3A_264 = tpu.memref_squeeze %dma_wait3A_263 : memref<1x128x32xf32, #tpu.memory_space<vmem>> -> memref<128x32xf32, #tpu.memory_space<vmem>>
    tpu.wait_dma2 semaphore(%dma_wait3A_258 : memref<!tpu.dma_semaphore, #tpu.memory_space<semaphore_mem>>) src(%dma_wait3A_264 : memref<128x32xf32, #tpu.memory_space<vmem>>) dst(%dma_wait3A_260 : memref<128x32xf32, #tpu.memory_space<hbm>>)
    %add3A_265 = arith.constant 197 : i32
    %add3A_266 = arith.addi %mul3A_2, %add3A_265 : i32
    %mul3A_267 = arith.constant 128 : i32
    %mul3A_268 = arith.muli %add3A_266, %mul3A_267 : i32
    %dma_wait3A_269 = arith.constant 7 : i32
    %dma_wait3A_270 = arith.constant 7 : i32
    %dma_wait3A_271 = arith.constant 0 : i32
    %dma_wait3A_272 = arith.constant 0 : i32
    %dma_wait3A_273 = tpu.memref_slice %arg6[%dma_wait3A_269, %dma_wait3A_271, %dma_wait3A_272] : memref<10x128x32xf32, #tpu.memory_space<vmem>> -> memref<1x128x32xf32, #tpu.memory_space<vmem>>
    %dma_wait3A_274 = tpu.memref_squeeze %dma_wait3A_273 : memref<1x128x32xf32, #tpu.memory_space<vmem>> -> memref<128x32xf32, #tpu.memory_space<vmem>>
    %dma_wait3A_275 = arith.constant 0 : i32
    %dma_wait3A_276 = tpu.memref_slice %arg4[%mul3A_268, %dma_wait3A_275] : memref<819200x32xf32, #tpu.memory_space<hbm>> -> memref<128x32xf32, #tpu.memory_space<hbm>>
    %dma_wait3A_277 = tpu.memref_slice %arg8[%dma_wait3A_270] : memref<10x!tpu.dma_semaphore, #tpu.memory_space<semaphore_mem>> -> memref<1x!tpu.dma_semaphore, #tpu.memory_space<semaphore_mem>>
    %dma_wait3A_278 = tpu.memref_squeeze %dma_wait3A_277 : memref<1x!tpu.dma_semaphore, #tpu.memory_space<semaphore_mem>> -> memref<!tpu.dma_semaphore, #tpu.memory_space<semaphore_mem>>
    %dma_wait3A_279 = arith.constant 0 : i32
    %dma_wait3A_280 = tpu.memref_slice %arg4[%mul3A_268, %dma_wait3A_279] : memref<819200x32xf32, #tpu.memory_space<hbm>> -> memref<128x32xf32, #tpu.memory_space<hbm>>
    %dma_wait3A_281 = arith.constant 0 : i32
    %dma_wait3A_282 = arith.constant 0 : i32
    %dma_wait3A_283 = tpu.memref_slice %arg6[%dma_wait3A_269, %dma_wait3A_281, %dma_wait3A_282] : memref<10x128x32xf32, #tpu.memory_space<vmem>> -> memref<1x128x32xf32, #tpu.memory_space<vmem>>
    %dma_wait3A_284 = tpu.memref_squeeze %dma_wait3A_283 : memref<1x128x32xf32, #tpu.memory_space<vmem>> -> memref<128x32xf32, #tpu.memory_space<vmem>>
    tpu.wait_dma2 semaphore(%dma_wait3A_278 : memref<!tpu.dma_semaphore, #tpu.memory_space<semaphore_mem>>) src(%dma_wait3A_284 : memref<128x32xf32, #tpu.memory_space<vmem>>) dst(%dma_wait3A_280 : memref<128x32xf32, #tpu.memory_space<hbm>>)
    %add3A_285 = arith.constant 198 : i32
    %add3A_286 = arith.addi %mul3A_2, %add3A_285 : i32
    %mul3A_287 = arith.constant 128 : i32
    %mul3A_288 = arith.muli %add3A_286, %mul3A_287 : i32
    %dma_wait3A_289 = arith.constant 8 : i32
    %dma_wait3A_290 = arith.constant 8 : i32
    %dma_wait3A_291 = arith.constant 0 : i32
    %dma_wait3A_292 = arith.constant 0 : i32
    %dma_wait3A_293 = tpu.memref_slice %arg6[%dma_wait3A_289, %dma_wait3A_291, %dma_wait3A_292] : memref<10x128x32xf32, #tpu.memory_space<vmem>> -> memref<1x128x32xf32, #tpu.memory_space<vmem>>
    %dma_wait3A_294 = tpu.memref_squeeze %dma_wait3A_293 : memref<1x128x32xf32, #tpu.memory_space<vmem>> -> memref<128x32xf32, #tpu.memory_space<vmem>>
    %dma_wait3A_295 = arith.constant 0 : i32
    %dma_wait3A_296 = tpu.memref_slice %arg4[%mul3A_288, %dma_wait3A_295] : memref<819200x32xf32, #tpu.memory_space<hbm>> -> memref<128x32xf32, #tpu.memory_space<hbm>>
    %dma_wait3A_297 = tpu.memref_slice %arg8[%dma_wait3A_290] : memref<10x!tpu.dma_semaphore, #tpu.memory_space<semaphore_mem>> -> memref<1x!tpu.dma_semaphore, #tpu.memory_space<semaphore_mem>>
    %dma_wait3A_298 = tpu.memref_squeeze %dma_wait3A_297 : memref<1x!tpu.dma_semaphore, #tpu.memory_space<semaphore_mem>> -> memref<!tpu.dma_semaphore, #tpu.memory_space<semaphore_mem>>
    %dma_wait3A_299 = arith.constant 0 : i32
    %dma_wait3A_300 = tpu.memref_slice %arg4[%mul3A_288, %dma_wait3A_299] : memref<819200x32xf32, #tpu.memory_space<hbm>> -> memref<128x32xf32, #tpu.memory_space<hbm>>
    %dma_wait3A_301 = arith.constant 0 : i32
    %dma_wait3A_302 = arith.constant 0 : i32
    %dma_wait3A_303 = tpu.memref_slice %arg6[%dma_wait3A_289, %dma_wait3A_301, %dma_wait3A_302] : memref<10x128x32xf32, #tpu.memory_space<vmem>> -> memref<1x128x32xf32, #tpu.memory_space<vmem>>
    %dma_wait3A_304 = tpu.memref_squeeze %dma_wait3A_303 : memref<1x128x32xf32, #tpu.memory_space<vmem>> -> memref<128x32xf32, #tpu.memory_space<vmem>>
    tpu.wait_dma2 semaphore(%dma_wait3A_298 : memref<!tpu.dma_semaphore, #tpu.memory_space<semaphore_mem>>) src(%dma_wait3A_304 : memref<128x32xf32, #tpu.memory_space<vmem>>) dst(%dma_wait3A_300 : memref<128x32xf32, #tpu.memory_space<hbm>>)
    %add3A_305 = arith.constant 199 : i32
    %add3A_306 = arith.addi %mul3A_2, %add3A_305 : i32
    %mul3A_307 = arith.constant 128 : i32
    %mul3A_308 = arith.muli %add3A_306, %mul3A_307 : i32
    %dma_wait3A_309 = arith.constant 9 : i32
    %dma_wait3A_310 = arith.constant 9 : i32
    %dma_wait3A_311 = arith.constant 0 : i32
    %dma_wait3A_312 = arith.constant 0 : i32
    %dma_wait3A_313 = tpu.memref_slice %arg6[%dma_wait3A_309, %dma_wait3A_311, %dma_wait3A_312] : memref<10x128x32xf32, #tpu.memory_space<vmem>> -> memref<1x128x32xf32, #tpu.memory_space<vmem>>
    %dma_wait3A_314 = tpu.memref_squeeze %dma_wait3A_313 : memref<1x128x32xf32, #tpu.memory_space<vmem>> -> memref<128x32xf32, #tpu.memory_space<vmem>>
    %dma_wait3A_315 = arith.constant 0 : i32
    %dma_wait3A_316 = tpu.memref_slice %arg4[%mul3A_308, %dma_wait3A_315] : memref<819200x32xf32, #tpu.memory_space<hbm>> -> memref<128x32xf32, #tpu.memory_space<hbm>>
    %dma_wait3A_317 = tpu.memref_slice %arg8[%dma_wait3A_310] : memref<10x!tpu.dma_semaphore, #tpu.memory_space<semaphore_mem>> -> memref<1x!tpu.dma_semaphore, #tpu.memory_space<semaphore_mem>>
    %dma_wait3A_318 = tpu.memref_squeeze %dma_wait3A_317 : memref<1x!tpu.dma_semaphore, #tpu.memory_space<semaphore_mem>> -> memref<!tpu.dma_semaphore, #tpu.memory_space<semaphore_mem>>
    %dma_wait3A_319 = arith.constant 0 : i32
    %dma_wait3A_320 = tpu.memref_slice %arg4[%mul3A_308, %dma_wait3A_319] : memref<819200x32xf32, #tpu.memory_space<hbm>> -> memref<128x32xf32, #tpu.memory_space<hbm>>
    %dma_wait3A_321 = arith.constant 0 : i32
    %dma_wait3A_322 = arith.constant 0 : i32
    %dma_wait3A_323 = tpu.memref_slice %arg6[%dma_wait3A_309, %dma_wait3A_321, %dma_wait3A_322] : memref<10x128x32xf32, #tpu.memory_space<vmem>> -> memref<1x128x32xf32, #tpu.memory_space<vmem>>
    %dma_wait3A_324 = tpu.memref_squeeze %dma_wait3A_323 : memref<1x128x32xf32, #tpu.memory_space<vmem>> -> memref<128x32xf32, #tpu.memory_space<vmem>>
    tpu.wait_dma2 semaphore(%dma_wait3A_318 : memref<!tpu.dma_semaphore, #tpu.memory_space<semaphore_mem>>) src(%dma_wait3A_324 : memref<128x32xf32, #tpu.memory_space<vmem>>) dst(%dma_wait3A_320 : memref<128x32xf32, #tpu.memory_space<hbm>>)
    return
  }
}

</mosaic_0001>

<sc_bundles>
// kernel: kernel.3.cloned.1.call-start
scs
__scs_entry_jumppad:
0x0: {  	(pc) =	sbr.rel $0x88, $3  }
0x1: {  	(tag) =	ssettag $0x0;
	lr =	simm.s32 $0x1  }
0x2: {  	[smem:$0x3F9F] =	sst lr;
	_ =	strace $0xD0000000  }
0x3: {  	_ = 	snop  }
0x4: {  	_ = 	snop  }
0x5: {  	_ = 	snop  }
0x6: {  	_ = 	snop  }
0x7: {  	_ = 	snop  }
__scs_overlays_trampoline_lowered:
0x8: {  	[smem:$0x3FAE] =	sst s0  }
0x9: {  	[smem:$0x3FAF] =	sst s1  }
0xa: {  	[smem:$0x3FB0] =	sst s2  }
0xb: {  	[smem:$0x3FB1] =	sst s3  }
0xc: {  	[smem:$0x3FB2] =	sst s4  }
0xd: {  	[smem:$0x3FB3] =	sst s5  }
0xe: {  	[smem:$0x3FB4] =	sst s6  }
0xf: {  	[smem:$0x3FB5] =	sst s7  }
0x10: {  	[smem:$0x3FB6] =	sst s8  }
0x11: {  	[smem:$0x3FB7] =	sst s9;
	s0 =	simm.s32 @!p0 $0x0  }
0x12: {  	s1 =	sld [smem:$0x3F9D];
	s0 =	simm.s32 @p0 $0x1  }
0x13: {  	[smem:$0x3FB8] =	sst s0;
	s0 =	simm.s32 @!p1 $0x0  }
0x14: {  	s2 =	sld [smem:$0x3F9C];
	s0 =	simm.s32 @p1 $0x1  }
0x15: {  	[smem:$0x3FB9] =	sst s0;
	s0 =	simm.s32 @!p2 $0x0  }
0x16: {  	s3 =	sld [smem:$0x3FDB];
	s0 =	simm.s32 @p2 $0x1  }
0x17: {  	s4 =	simm.s32 $0x1BF5;
	[smem:$0x3FBB] =	sst s0  }
0x18: {  	s0 =	sld [smem:$0x3F9E];
	_ =	swait.ge [sflag:s4], $0x0  }
0x19: {  	s7 =	sld [smem:$0x3F9F]  }
0x1a: {  	s8 =	sadd.s32 $0xFFFFE003, lr  }
0x1b: {  	s9 =	sadd.s32 $0xFFFFFEF7, lr;
	s5 =	simm.s32 $0xFFFFFFFF;
	p2 =	slt.u32 s8, $0xFFFFF086  }
0x1c: {  	p1 =	slt.u32 s9, $0xF7A;
	s5 =	simm.s32 @!p2 $0x0  }
0x1d: {  	s5 =	simm.s32 @p1 $0x1;
	p0 =	seq.s32 s7, s2  }
0x1e: {  	s7 =	smul.u32 @!p0 $0xF7A, s2;
	p2 =	seq.s32 @!p0 s5, $0x0  }
0x1f: {  	s9 =	smul.u32 $0xF7A, s1;
	s8 =	simm.s32 @!p0 $0x1BF5;
	p2 =	por !p2, p0  }
0x20: {  	[sflag:s8] =	ssyncset.s32 @!p0 $0xFFFFF086;
	s6 =	sadd.s32 @!p0 s3, s7;
	s7 =	simm.s32 @!p0 $0x108  }
0x21: {  	s3 =	sadd.s32 s3, s9;
	s6 =	sadd.s32 @!p0 $0x88, s6;
	s7 =	simm.s32 @p2 $0x1082  }
0x22: {  	[simem:s7], [sflag:s8] =	dma.local @!p0 [hbm:s6], $0xF7A  }
0x23: {  	s9 =	sor.u32 $0xD0000000, s2;
	s6 =	simm.s32 $0x108;
	_ =	swait.ge @!p0 [sflag:s8], $0x0  }
0x24: {  	s3 =	sadd.s32 $0x88, s3;
	s6 =	simm.s32 @!p1 $0x1082;
	[sflag:s4] =	ssyncset.s32 $0xFFFFF086  }
0x25: {  	[simem:s6], [sflag:s4] =	dma.local [hbm:s3], $0xF7A  }
0x26: {  	[smem:$0x3F9F] =	sst s1;
	(tag) =	ssettag s2;
	_ =	strace s9  }
0x27: {  	s1 =	sld [smem:$0x3FAF]  }
0x28: {  	s2 =	sld [smem:$0x3FB0]  }
0x29: {  	s4 =	sld [smem:$0x3FB2]  }
0x2a: {  	p0 =	seq.s32 s5, $0x0;
	s5 =	sld [smem:$0x3FB3]  }
0x2b: {  	s6 =	sld [smem:$0x3FB4]  }
0x2c: {  	s7 =	sld [smem:$0x3FB5]  }
0x2d: {  	s3 =	simm.s32 $0x108;
	s8 =	sld [smem:$0x3FB6]  }
0x2e: {  	s3 =	simm.s32 @!p0 $0x1082;
	s9 =	sld [smem:$0x3FB7]  }
0x2f: {  	lr =	sadd.s32 s0, s3;
	s0 =	sld [smem:$0x3FAE]  }
0x30: {  	s3 =	sld [smem:$0x3FB1]  }
0x31: {  	[smem:$0x3FBA] =	sst s10  }
0x32: {  	s10 =	sld [smem:$0x3FB8];
	_ =	sdelay $0x3  }
0x33: {  	p0 =	seq.s32 s10, $0x1;
	s10 =	sld [smem:$0x3FBA];
	_ =	sdelay $0x3  }
0x34: {  	[smem:$0x3FBA] =	sst s10  }
0x35: {  	s10 =	sld [smem:$0x3FB9];
	_ =	sdelay $0x3  }
0x36: {  	p1 =	seq.s32 s10, $0x1;
	s10 =	sld [smem:$0x3FBA];
	_ =	sdelay $0x3  }
0x37: {  	[smem:$0x3FBA] =	sst s10  }
0x38: {  	s10 =	sld [smem:$0x3FBB]  }
0x39: {  	_ = 	snop;
	(pc) =	sbr.ind lr, $3  }
0x3a: {  	_ = 	snop  }
0x3b: {  	_ = 	snop  }
0x3c: {  	p2 =	seq.s32 s10, $0x1;
	s10 =	sld [smem:$0x3FBA]  }
0x3d: {  	_ =	shalt  }
0x3e: {  	_ =	shalt  }
0x3f: {  	_ =	shalt  }
0x40: {  	_ =	shalt  }
0x41: {  	_ =	shalt  }
0x42: {  	_ =	shalt  }
0x43: {  	_ =	shalt  }
0x44: {  	_ =	shalt  }
0x45: {  	_ =	shalt  }
0x46: {  	_ =	shalt  }
0x47: {  	_ =	shalt  }
0x48: {  	_ =	shalt  }
0x49: {  	_ =	shalt  }
0x4a: {  	_ =	shalt  }
0x4b: {  	_ =	shalt  }
0x4c: {  	_ =	shalt  }
0x4d: {  	_ =	shalt  }
0x4e: {  	_ =	shalt  }
0x4f: {  	_ =	shalt  }
0x50: {  	_ =	shalt  }
0x51: {  	_ =	shalt  }
0x52: {  	_ =	shalt  }
0x53: {  	_ =	shalt  }
0x54: {  	_ =	shalt  }
0x55: {  	_ =	shalt  }
0x56: {  	_ =	shalt  }
0x57: {  	_ =	shalt  }
0x58: {  	_ =	shalt  }
0x59: {  	_ =	shalt  }
0x5a: {  	_ =	shalt  }
0x5b: {  	_ =	shalt  }
0x5c: {  	_ =	shalt  }
0x5d: {  	_ =	shalt  }
0x5e: {  	_ =	shalt  }
0x5f: {  	_ =	shalt  }
0x60: {  	_ =	shalt  }
0x61: {  	_ =	shalt  }
0x62: {  	_ =	shalt  }
0x63: {  	_ =	shalt  }
0x64: {  	_ =	shalt  }
0x65: {  	_ =	shalt  }
0x66: {  	_ =	shalt  }
0x67: {  	_ =	shalt  }
0x68: {  	_ =	shalt  }
0x69: {  	_ =	shalt  }
0x6a: {  	_ =	shalt  }
0x6b: {  	_ =	shalt  }
0x6c: {  	_ =	shalt  }
0x6d: {  	_ =	shalt  }
0x6e: {  	_ =	shalt  }
0x6f: {  	_ =	shalt  }
0x70: {  	_ =	shalt  }
0x71: {  	_ =	shalt  }
0x72: {  	_ =	shalt  }
0x73: {  	_ =	shalt  }
0x74: {  	_ =	shalt  }
0x75: {  	_ =	shalt  }
0x76: {  	_ =	shalt  }
0x77: {  	_ =	shalt  }
0x78: {  	_ =	shalt  }
0x79: {  	_ =	shalt  }
0x7a: {  	_ =	shalt  }
0x7b: {  	_ =	shalt  }
0x7c: {  	_ =	shalt  }
0x7d: {  	_ =	shalt  }
0x7e: {  	_ =	shalt  }
0x7f: {  	_ =	shalt  }
0x80: {  	_ =	shalt  }
0x81: {  	_ =	shalt  }
0x82: {  	_ =	shalt  }
0x83: {  	_ =	shalt  }
0x84: {  	_ =	shalt  }
0x85: {  	_ =	shalt  }
0x86: {  	_ =	shalt  }
0x87: {  	_ =	shalt  }
.Lfunc_end0:
.L_simem_size_0:
called_computation.1_lowered:
.L_overlay_start_0:
0x88: {  	s2 =	sld [smem:$0x3FD9]  }
0x89: {  	s3 =	sld [smem:$0x3FFE];
	_ =	sdelay $0x1  }
0x8a: {  	s1 =	srdreg.scid  }
0x8b: {  	s0 =	sand.u32 $0x1, s1  }
0x8c: {  	s17 =	sshll.u32 s0, $0xA;
	s2 =	sadd.s32 s3, s2  }
0x8d: {  	s2 =	sadd.s32 s2, s17  }
0x8e: {  	[smem:$0x3FC6] =	sst s2  }
0x8f: {  	_ = 	snop  }
0x90: {  	s2 =	sld [smem:$0x3FD0];
	(tm) =	ssettm $0x1  }
0x91: {  	s18 =	sld [smem:$0x3FFB];
	_ =	sdelay $0x3  }
0x92: {  	_ =	strace s18  }
0x93: {  	s3 =	sld [smem:$0x3FFC];
	_ =	sdelay $0x3  }
0x94: {  	_ =	strace s3  }
0x95: {  	s3 =	sld [smem:$0x3FFD];
	_ =	sdelay $0x3  }
0x96: {  	_ =	strace s3  }
0x97: {  	_ =	strace $0x8FFFFFFF  }
0x98: {  	s19 =	sld [smem:$0x3FDB];
	_ =	sdelay $0x1  }
0x99: {  	s4 =	simm.s32 $_scs_section_size  }
0x9a: {  	s5 =	simm.s32 $_size__tile_overlayer_lowered;
	s6 =	simm.s32 $_tile_overlayer_lowered  }
0x9b: {  	s22 =	simm.s32 $0x1BFF;
	s21 =	sshll.u32 s6, $0x1;
	s3 =	sadd.s32 s4, s19  }
0x9c: {  	s7 =	simm.s32 $0x0;
	s20 =	sshll.u32 s5, $0x1;
	s5 =	sadd.s32 s21, s3  }
0x9d: {  	[timem:s7], [sflag:s22] =	dma.local [hbm:s5], s20  }
0x9e: {  	_ =	swait.ge [sflag:s22], s20  }
0x9f: {  	s4 =	ssub.s32 $0x0, s20;
	[sflag:s22] =	ssyncset.done $0x0  }
0xa0: {  	[sflag:s22] =	ssyncadd.s32 s4;
	_ =	sdelay $0x1  }
0xa1: {  	s23 =	simm.s32 $0x1B8B  }
0xa2: {  	_ =	swait.ge [sflag:s23], $0x1  }
0xa3: {  	[sflag:s23] =	ssyncset.done $0x0  }
0xa4: {  	s25 =	simm.s32 $0x1B8E;
	s24 =	sld [smem:$0x3FFE];
	[sflag:s23] =	ssyncadd.s32 $0xFFFFFFFF  }
0xa5: {  	s26 =	simm.s32 $execute0_lowered;
	[smem:$0x3FD2] =	sst s25  }
0xa6: {  	s5 =	sshll.u32 s26, $0x1;
	_ =	strace $0x80000046;
	[dreg:$0x1] =	wrdreg $0xFFFFFFFF  }
0xa7: {  	s28 =	simm.s32 $_size_execute0_lowered;
	s3 =	sadd.s32 s3, s5;
	[dreg:$0x0] =	wrdreg $0x0  }
0xa8: {  	s5 =	sshll.u32 s28, $0x1;
	[dreg:$0x2] =	wrdreg s3  }
0xa9: {  	[dreg:$0x3] =	wrdreg s5  }
0xaa: {  	[dreg:$0x4] =	wrdreg $0xC0  }
0xab: {  	_ =	task [dreg:s7], $0x5FFFF  }
0xac: {  	[dreg:$0x1] =	wrdreg $0xFFFFFFFF  }
0xad: {  	[dreg:$0x0] =	wrdreg $0x60  }
0xae: {  	[dreg:$0x2] =	wrdreg s24  }
0xaf: {  	[dreg:$0x3] =	wrdreg s2  }
0xb0: {  	[dreg:$0x4] =	wrdreg $0x9  }
0xb1: {  	_ =	task.clear_ibuf [dreg:s7], $0x5FFFF;
	_ =	strace $0x90000046  }
0xb2: {  	s29 =	simm.s32 $0x9;
	_ =	strace $0x80000048  }
0xb3: {  	_ =	swait.ge [sflag:s29], $0x1  }
0xb4: {  	[sflag:s29] =	ssyncadd.s32 $0xFFFFFFFF  }
0xb5: {  	_ =	strace $0x90000048  }
0xb6: {  	_ =	sfence  }
0xb7: {  	s30 =	sld [smem:$0x0];
	_ =	sdelay $0x2  }
0xb8: {  	s31 =	sshll.u32 s1, $0xD;
	s1 =	sshrl.u32 s1, $0x2  }
0xb9: {  	s3 =	sand.u32 $0x4000, s31;
	s1 =	sadd.s32 s1, s30  }
0xba: {  	s0 =	sor.u32 s3, s0;
	s1 =	sshll.u32 s1, $0x11  }
0xbb: {  	s0 =	sor.u32 s1, s0  }
0xbc: {  	s0 =	sadd.s32 $0x8F2B, s0  }
0xbd: {  	[sflag:s0] =	ssyncadd.remote.s32 $0x1  }
0xbe: {  	_ =	sfence.sel $0xFFFF  }
0xbf: {  	[dreg:$0x0] =	wrdreg $0xFFFFFFFF;
	(pc) =	sbr.abs _section_cstart, $3  }
0xc0: {  	[dreg:$0x1] =	wrdreg $0xFFFFFFFF  }
0xc1: {  	_ =	task.clear_ibuf [dreg:s7], $0x2FFFF;
	_ =	strace $0x9FFFFFFF  }
0xc2: {  	(tm) =	ssettm $0x7FFFFFFF  }
0xc3: {  	_ =	shalt  }
tec
execute0_lowered:
.L_overlay_start_1:
0x0: {  	(tag) =	ssettag $0x1  }
0x1: {  	s0 =	srdreg.scid;
	s3 =	rddreg [dreg:$0x0]  }
0x2: {  	s9 =	stileid.u32;
	s4 =	rddreg [dreg:$0x1];
	s2 =	simm.s32 $0x0  }
0x3: {  	s14 =	simm.s32 $0x80;
	s29 =	simm.s32 $0xD400;
	s30 =	simm.s32 $0x1  }
0x4: {  	s31 =	simm.s32 $0xE400;
	s17 =	simm.s32 $0x3;
	s19 =	simm.s32 $0x4  }
0x5: {  	s21 =	simm.s32 $0x5;
	s23 =	simm.s32 $0x6;
	s28 =	simm.s32 $0x8  }
0x6: {  	s13 =	simm.s32 $0x12;
	s16 =	simm.s32 $0x0;
	s5 =	smul.u32 $0x190, s9  }
0x7: {  	s0 =	sand.u32 $0x1, s0;
	s1 =	sshll.u32 s9, $0x1;
	s25 =	smul.u32 $0x32000, s9  }
0x8: {  	[smem:$0x7FF] =	sst s2;
	s1 =	sor.u32 s0, s1;
	s6 =	smul.u32 $0xC8, s0  }
0x9: {  	_ =	strace $0x80000047;
	s7 =	ssub.s32 $0x2, s0;
	s1 =	smul.u32 $0xC80, s1  }
0xa: {  	s0 =	smul.u32 $0x19000, s0;
	s8 =	sshrl.u32 s7, $0x1;
	s5 =	sadd.s32 s6, s5  }
0xb: {  	s24 =	ssub.s32 s7, s8;
	s1 =	sadd.s32 s1, s3;
	s3 =	sadd.s32 $0xF42E00, s3  }
0xc: {  	s5 =	sshll.u32 s5, $0x9;
	s6 =	smax.u32 s24, $0x1;
	s1 =	sadd.s32 $0xA00, s1  }
0xd: {  	s5 =	sadd.s32 s5, s4;
	[dreg:$0x4] =	wrdreg s6;
	s6 =	simm.s32 $0xA  }
.Ltmp0:
0xe: {  	[dreg:$0x3] =	wrdreg s1;
	s26 =	sadd.s32 $0xC00, s5;
	(pc) =	sbr.rel .LBB2_1-.Ltmp0, $4  }
0xf: {  	s8 =	sadd.s32 $0x800, s5;
	s9 =	sadd.s32 $0x400, s5;
	s1 =	sadd.s32 s25, s4  }
0x10: {  	s10 =	sadd.s32 $0x1200, s5;
	s7 =	smov.u32 s5;
	s11 =	sadd.s32 $0x1000, s5  }
0x11: {  	s25 =	simm.s32 $0x7;
	s4 =	simm.s32 $0x9;
	[dreg:$0x5] =	wrdreg s26  }
0x12: {  	s12 =	sadd.s32 s0, s1;
	s1 =	simm.s32 $0x2;
	s0 =	simm.s32 $0xF400  }
.LBB2_4:
0x13: {  	s5 =	simm.s32 $0xB  }
0x14: {  	_ =	swait.ge [sflag:s5], $0x1000  }
0x15: {  	[sflag:s5] =	ssyncset.done $0x0  }
0x16: {  	s26 =	simm.s32 $0xC;
	[sflag:s5] =	ssyncadd.s32 $0xFFFFF000  }
0x17: {  	_ =	swait.ge [sflag:s26], $0x1000  }
0x18: {  	[sflag:s26] =	ssyncset.done $0x0  }
0x19: {  	s15 =	simm.s32 $0xD;
	[sflag:s26] =	ssyncadd.s32 $0xFFFFF000  }
0x1a: {  	_ =	swait.ge [sflag:s15], $0x1000  }
0x1b: {  	[sflag:s15] =	ssyncset.done $0x0  }
0x1c: {  	s16 =	simm.s32 $0xE;
	[sflag:s15] =	ssyncadd.s32 $0xFFFFF000  }
0x1d: {  	_ =	swait.ge [sflag:s16], $0x1000  }
0x1e: {  	[sflag:s16] =	ssyncset.done $0x0  }
0x1f: {  	s18 =	simm.s32 $0xF;
	[sflag:s16] =	ssyncadd.s32 $0xFFFFF000  }
0x20: {  	_ =	swait.ge [sflag:s18], $0x1000  }
0x21: {  	[sflag:s18] =	ssyncset.done $0x0  }
0x22: {  	s20 =	simm.s32 $0x10;
	[sflag:s18] =	ssyncadd.s32 $0xFFFFF000  }
0x23: {  	_ =	swait.ge [sflag:s20], $0x1000  }
0x24: {  	[sflag:s20] =	ssyncset.done $0x0  }
0x25: {  	s22 =	simm.s32 $0x11;
	[sflag:s20] =	ssyncadd.s32 $0xFFFFF000  }
0x26: {  	_ =	swait.ge [sflag:s22], $0x1000  }
0x27: {  	[sflag:s22] =	ssyncset.done $0x0  }
0x28: {  	[sflag:s22] =	ssyncadd.s32 $0xFFFFF000  }
0x29: {  	_ =	swait.ge [sflag:s13], $0x1000  }
0x2a: {  	[sflag:s13] =	ssyncset.done $0x0  }
0x2b: {  	s24 =	simm.s32 $0x13;
	[sflag:s13] =	ssyncadd.s32 $0xFFFFF000  }
0x2c: {  	_ =	swait.ge [sflag:s24], $0x1000  }
0x2d: {  	[sflag:s24] =	ssyncset.done $0x0  }
0x2e: {  	s15 =	simm.s32 $0x14;
	[sflag:s24] =	ssyncadd.s32 $0xFFFFF000  }
0x2f: {  	_ =	swait.ge [sflag:s15], $0x1000  }
0x30: {  	s16 =	rddreg [dreg:$0x6]  }
0x31: {  	s26 =	rddreg [dreg:$0x4];
	s16 =	sadd.s32 $0x1, s16  }
0x32: {  	p0 =	sne.s32 s16, s26  }
.Ltmp1:
0x33: {  	_ = 	snop;
	(pc) =	sbr.rel @!p0 .LBB2_5-.Ltmp1, $3  }
0x34: {  	_ =	sdelay $0x1  }
0x35: {  	[sflag:s15] =	ssyncset.done $0x0  }
0x36: {  	[sflag:s15] =	ssyncadd.s32 $0xFFFFF000  }
.LBB2_1:
0x37: {  	[dreg:$0x6] =	wrdreg s16  }
0x38: {  	s5 =	rddreg [dreg:$0x3];
	s16 =	simm.s32 $0x15  }
0x39: {  	[tilespmem:s2], [sflag:$0x15] =	stream.linear.gather [hbm4b:s5+s2], $0x6400, $0x38;
	[tilespmem:$0x10400] =	vst v63  }
0x3a: {  	_ =	swait.ge [sflag:s16], $0x6400  }
0x3b: {  	[sflag:s16] =	ssyncset.done $0x0  }
0x3c: {  	s18 =	simm.s32 $0x6400;
	[sflag:s16] =	ssyncadd.s32 $0xFFFF9C00  }
0x3d: {  	[tilespmem:s18], [sflag:$0x1] =	stream.indirect.gather [hbm4b:s3+s14], $0x20, s2, s14, $0xb8;
	[tilespmem:$0x10400] =	vst v63  }
0x3e: {  	s20 =	simm.s32 $0x7400  }
0x3f: {  	[tilespmem:s20], [sflag:$0x2] =	stream.indirect.gather [hbm4b:s3+s14], $0x20, s14, s14, $0xb8;
	[tilespmem:$0x10400] =	vst v63  }
0x40: {  	s22 =	simm.s32 $0x100;
	s15 =	simm.s32 $0x8400  }
0x41: {  	[tilespmem:s15], [sflag:$0x3] =	stream.indirect.gather [hbm4b:s3+s14], $0x20, s22, s14, $0xb8;
	[tilespmem:$0x10400] =	vst v63  }
0x42: {  	s24 =	simm.s32 $0x180;
	s26 =	simm.s32 $0x9400  }
0x43: {  	[tilespmem:s26], [sflag:$0x4] =	stream.indirect.gather [hbm4b:s3+s14], $0x20, s24, s14, $0xb8;
	[tilespmem:$0x10400] =	vst v63  }
0x44: {  	s16 =	simm.s32 $0xA400;
	s15 =	simm.s32 $0x200  }
0x45: {  	[tilespmem:s16], [sflag:$0x5] =	stream.indirect.gather [hbm4b:s3+s14], $0x20, s15, s14, $0xb8;
	[tilespmem:$0x10400] =	vst v63  }
0x46: {  	s18 =	simm.s32 $0x280;
	s20 =	simm.s32 $0xB400  }
0x47: {  	[tilespmem:s20], [sflag:$0x6] =	stream.indirect.gather [hbm4b:s3+s14], $0x20, s18, s14, $0xb8;
	[tilespmem:$0x10400] =	vst v63  }
0x48: {  	s22 =	simm.s32 $0x300;
	s24 =	simm.s32 $0xC400  }
0x49: {  	[tilespmem:s24], [sflag:$0x7] =	stream.indirect.gather [hbm4b:s3+s14], $0x20, s22, s14, $0xb8;
	[tilespmem:$0x10400] =	vst v63  }
0x4a: {  	s26 =	simm.s32 $0x380;
	s15 =	simm.s32 $0xFFFFFFFE;
	s16 =	simm.s32 $0x0  }
0x4b: {  	[tilespmem:s29], [sflag:$0x8] =	stream.indirect.gather [hbm4b:s3+s14], $0x20, s26, s14, $0xb8;
	[tilespmem:$0x10400] =	vst v63  }
.LBB2_2:
0x4c: {  	_ =	swait.ge [sflag:s30], $0x1000  }
0x4d: {  	s18 =	sadd.s32 s16, s12;
	p0 =	sgt.u32 s15, $0xBD;
	[sflag:s30] =	ssyncset.done $0x0  }
0x4e: {  	s5 =	simm.s32 $0x6400;
	s20 =	simm.s32 @!p0 $0x13;
	[sflag:s30] =	ssyncadd.s32 $0xFFFFF000  }
0x4f: {  	[hbm4b:s18+s2] =	stream.linear.scatter [tilespmem:s5], [sflag:$0xB], $0x1000, $0x38;
	[tilespmem:$0x10400] =	vst v63  }
0x50: {  	_ =	swait.ge @!p0 [sflag:s20], $0x1000  }
0x51: {  	s18 =	sshra.s32 s16, $0x2;
	[sflag:s20] =	ssyncset.done @!p0 $0x0  }
0x52: {  	s22 =	sadd.s32 $0x400, s18;
	[sflag:s20] =	ssyncadd.s32 @!p0 $0xFFFFF000  }
0x53: {  	[tilespmem:s31], [sflag:$0x9] =	stream.indirect.gather [hbm4b:s3+s14], $0x20, s22, s14, $0xb8;
	[tilespmem:$0x10400] =	vst v63  }
0x54: {  	_ =	swait.ge [sflag:s1], $0x1000  }
0x55: {  	s20 =	sadd.s32 s16, s7;
	[sflag:s1] =	ssyncset.done $0x0  }
0x56: {  	s24 =	simm.s32 $0x7400;
	s22 =	sadd.s32 $0x200, s20;
	[sflag:s1] =	ssyncadd.s32 $0xFFFFF000  }
0x57: {  	[hbm4b:s22+s2] =	stream.linear.scatter [tilespmem:s24], [sflag:$0xC], $0x1000, $0x38;
	[tilespmem:$0x10400] =	vst v63  }
0x58: {  	s22 =	simm.s32 @!p0 $0x14  }
0x59: {  	_ =	swait.ge @!p0 [sflag:s22], $0x1000  }
0x5a: {  	[sflag:s22] =	ssyncset.done @!p0 $0x0  }
0x5b: {  	s26 =	sadd.s32 $0x480, s18;
	[sflag:s22] =	ssyncadd.s32 @!p0 $0xFFFFF000  }
0x5c: {  	[tilespmem:s0], [sflag:$0xA] =	stream.indirect.gather [hbm4b:s3+s14], $0x20, s26, s14, $0xb8;
	[tilespmem:$0x10400] =	vst v63  }
0x5d: {  	_ =	swait.ge [sflag:s17], $0x1000  }
0x5e: {  	s5 =	sadd.s32 s16, s9;
	p0 =	seq.s32 s16, $0x17C00;
	[sflag:s17] =	ssyncset.done $0x0  }
0x5f: {  	s24 =	simm.s32 $0x8400;
	s22 =	simm.s32 @!p0 $0xB;
	[sflag:s17] =	ssyncadd.s32 $0xFFFFF000  }
0x60: {  	[hbm4b:s5+s2] =	stream.linear.scatter [tilespmem:s24], [sflag:$0xD], $0x1000, $0x38;
	[tilespmem:$0x10400] =	vst v63  }
0x61: {  	_ =	swait.ge @!p0 [sflag:s22], $0x1000  }
0x62: {  	[sflag:s22] =	ssyncset.done @!p0 $0x0  }
0x63: {  	[sflag:s22] =	ssyncadd.s32 @!p0 $0xFFFFF000;
	s22 =	sshra.s32 @!p0 s16, $0x2  }
0x64: {  	s24 =	simm.s32 @!p0 $0x80;
	s5 =	simm.s32 @!p0 $0x6400;
	s26 =	sadd.s32 @!p0 $0x500, s22  }
0x65: {  	[tilespmem:s5], [sflag:$0x1] =	stream.indirect.gather @!p0 [hbm4b:s3+s24], $0x20, s26, s24, $0xb8;
	[tilespmem:$0x10400] =	vst v63  }
0x66: {  	_ =	swait.ge [sflag:s19], $0x1000  }
0x67: {  	[sflag:s19] =	ssyncset.done $0x0  }
0x68: {  	s5 =	sadd.s32 $0x600, s20;
	s26 =	simm.s32 $0x9400;
	[sflag:s19] =	ssyncadd.s32 $0xFFFFF000  }
0x69: {  	[hbm4b:s5+s2] =	stream.linear.scatter [tilespmem:s26], [sflag:$0xE], $0x1000, $0x38;
	[tilespmem:$0x10400] =	vst v63  }
0x6a: {  	s5 =	simm.s32 @!p0 $0xC  }
0x6b: {  	_ =	swait.ge @!p0 [sflag:s5], $0x1000  }
0x6c: {  	[sflag:s5] =	ssyncset.done @!p0 $0x0  }
0x6d: {  	s26 =	simm.s32 @!p0 $0x7400;
	[sflag:s5] =	ssyncadd.s32 @!p0 $0xFFFFF000;
	s5 =	sadd.s32 @!p0 $0x580, s22  }
0x6e: {  	[tilespmem:s26], [sflag:$0x2] =	stream.indirect.gather @!p0 [hbm4b:s3+s24], $0x20, s5, s24, $0xb8;
	[tilespmem:$0x10400] =	vst v63  }
0x6f: {  	_ =	swait.ge [sflag:s21], $0x1000  }
0x70: {  	[sflag:s21] =	ssyncset.done $0x0  }
0x71: {  	s5 =	sadd.s32 s16, s8;
	s26 =	simm.s32 $0xA400;
	[sflag:s21] =	ssyncadd.s32 $0xFFFFF000  }
0x72: {  	[hbm4b:s5+s2] =	stream.linear.scatter [tilespmem:s26], [sflag:$0xF], $0x1000, $0x38;
	[tilespmem:$0x10400] =	vst v63  }
0x73: {  	s5 =	simm.s32 @!p0 $0xD  }
0x74: {  	_ =	swait.ge @!p0 [sflag:s5], $0x1000  }
0x75: {  	[sflag:s5] =	ssyncset.done @!p0 $0x0  }
0x76: {  	s26 =	simm.s32 @!p0 $0x8400;
	[sflag:s5] =	ssyncadd.s32 @!p0 $0xFFFFF000;
	s5 =	sadd.s32 @!p0 $0x600, s22  }
0x77: {  	[tilespmem:s26], [sflag:$0x3] =	stream.indirect.gather @!p0 [hbm4b:s3+s24], $0x20, s5, s24, $0xb8;
	[tilespmem:$0x10400] =	vst v63  }
0x78: {  	_ =	swait.ge [sflag:s23], $0x1000  }
0x79: {  	[sflag:s23] =	ssyncset.done $0x0  }
0x7a: {  	s5 =	sadd.s32 $0xA00, s20;
	s26 =	simm.s32 $0xB400;
	[sflag:s23] =	ssyncadd.s32 $0xFFFFF000  }
0x7b: {  	[hbm4b:s5+s2] =	stream.linear.scatter [tilespmem:s26], [sflag:$0x10], $0x1000, $0x38;
	[tilespmem:$0x10400] =	vst v63  }
0x7c: {  	s5 =	simm.s32 @!p0 $0xE  }
0x7d: {  	_ =	swait.ge @!p0 [sflag:s5], $0x1000  }
0x7e: {  	[sflag:s5] =	ssyncset.done @!p0 $0x0  }
0x7f: {  	s26 =	simm.s32 @!p0 $0x9400;
	[sflag:s5] =	ssyncadd.s32 @!p0 $0xFFFFF000;
	s5 =	sadd.s32 @!p0 $0x680, s22  }
0x80: {  	[tilespmem:s26], [sflag:$0x4] =	stream.indirect.gather @!p0 [hbm4b:s3+s24], $0x20, s5, s24, $0xb8;
	[tilespmem:$0x10400] =	vst v63  }
0x81: {  	_ =	swait.ge [sflag:s25], $0x1000  }
0x82: {  	[sflag:s25] =	ssyncset.done $0x0;
	s26 =	rddreg [dreg:$0x5]  }
0x83: {  	[sflag:s25] =	ssyncadd.s32 $0xFFFFF000;
	s5 =	sadd.s32 s16, s26;
	s26 =	simm.s32 $0xC400  }
0x84: {  	[hbm4b:s5+s2] =	stream.linear.scatter [tilespmem:s26], [sflag:$0x11], $0x1000, $0x38;
	[tilespmem:$0x10400] =	vst v63  }
0x85: {  	s5 =	simm.s32 @!p0 $0xF  }
0x86: {  	_ =	swait.ge @!p0 [sflag:s5], $0x1000  }
0x87: {  	[sflag:s5] =	ssyncset.done @!p0 $0x0  }
0x88: {  	s26 =	simm.s32 @!p0 $0xA400;
	[sflag:s5] =	ssyncadd.s32 @!p0 $0xFFFFF000;
	s5 =	sadd.s32 @!p0 $0x700, s22  }
0x89: {  	[tilespmem:s26], [sflag:$0x5] =	stream.indirect.gather @!p0 [hbm4b:s3+s24], $0x20, s5, s24, $0xb8;
	[tilespmem:$0x10400] =	vst v63  }
0x8a: {  	_ =	swait.ge [sflag:s28], $0x1000  }
0x8b: {  	[sflag:s28] =	ssyncset.done $0x0  }
0x8c: {  	s26 =	sadd.s32 $0xE00, s20;
	s5 =	simm.s32 @!p0 $0x10;
	[sflag:s28] =	ssyncadd.s32 $0xFFFFF000  }
0x8d: {  	[hbm4b:s26+s2] =	stream.linear.scatter [tilespmem:s29], [sflag:$0x12], $0x1000, $0x38;
	[tilespmem:$0x10400] =	vst v63  }
0x8e: {  	_ =	swait.ge @!p0 [sflag:s5], $0x1000  }
0x8f: {  	[sflag:s5] =	ssyncset.done @!p0 $0x0  }
0x90: {  	s20 =	simm.s32 @!p0 $0xB400;
	[sflag:s5] =	ssyncadd.s32 @!p0 $0xFFFFF000;
	s5 =	sadd.s32 @!p0 $0x780, s22  }
0x91: {  	[tilespmem:s20], [sflag:$0x6] =	stream.indirect.gather @!p0 [hbm4b:s3+s24], $0x20, s5, s24, $0xb8;
	[tilespmem:$0x10400] =	vst v63  }
0x92: {  	_ =	swait.ge [sflag:s4], $0x1000  }
0x93: {  	[sflag:s4] =	ssyncset.done $0x0  }
0x94: {  	s20 =	sadd.s32 s16, s11;
	s5 =	simm.s32 @!p0 $0x11;
	[sflag:s4] =	ssyncadd.s32 $0xFFFFF000  }
0x95: {  	[hbm4b:s20+s2] =	stream.linear.scatter [tilespmem:s31], [sflag:$0x13], $0x1000, $0x38;
	[tilespmem:$0x10400] =	vst v63  }
0x96: {  	_ =	swait.ge @!p0 [sflag:s5], $0x1000  }
0x97: {  	[sflag:s5] =	ssyncset.done @!p0 $0x0  }
0x98: {  	s20 =	simm.s32 @!p0 $0xC400;
	[sflag:s5] =	ssyncadd.s32 @!p0 $0xFFFFF000;
	s5 =	sadd.s32 @!p0 $0x800, s22  }
0x99: {  	[tilespmem:s20], [sflag:$0x7] =	stream.indirect.gather @!p0 [hbm4b:s3+s24], $0x20, s5, s24, $0xb8;
	[tilespmem:$0x10400] =	vst v63  }
.Ltmp2:
0x9a: {  	_ = 	snop;
	(pc) =	sbr.rel @p0 .LBB2_4-.Ltmp2, $4  }
0x9b: {  	_ =	swait.ge [sflag:s6], $0x1000  }
0x9c: {  	[sflag:s6] =	ssyncset.done $0x0  }
0x9d: {  	s26 =	sadd.s32 s16, s10;
	[sflag:s6] =	ssyncadd.s32 $0xFFFFF000  }
0x9e: {  	[hbm4b:s26+s2] =	stream.linear.scatter [tilespmem:s0], [sflag:$0x14], $0x1000, $0x38;
	[tilespmem:$0x10400] =	vst v63  }
.Ltmp3:
0x9f: {  	(pc) =	sbr.rel .LBB2_2-.Ltmp3, $4  }
0xa0: {  	_ =	swait.ge [sflag:s13], $0x1000  }
0xa1: {  	s5 =	sadd.s32 $0x880, s18;
	[sflag:s13] =	ssyncset.done $0x0  }
0xa2: {  	s16 =	sadd.s32 $0x1400, s16;
	s15 =	sadd.s32 $0xA, s15;
	[sflag:s13] =	ssyncadd.s32 $0xFFFFF000  }
0xa3: {  	[tilespmem:s29], [sflag:$0x8] =	stream.indirect.gather [hbm4b:s3+s14], $0x20, s5, s14, $0xb8;
	[tilespmem:$0x10400] =	vst v63  }
.LBB2_5:
0xa4: {  	_ =	sfence.sel $0x180000  }
0xa5: {  	[bflag:$0x0] =	sbarrier.arrive $0xFFFF  }
0xa6: {  	_ =	strace $0x90000047  }
0xa7: {  	s0 =	stileid.u32;
	[bflag:$0x2] =	sbarrier.arrive $0xFFFF  }
0xa8: {  	p0 =	sne.s32 s0, $0x0;
	s0 =	rddreg [dreg:$0x2]  }
0xa9: {  	s0 =	sadd.s32 @!p0 $0x100000, s0  }
0xaa: {  	[sflag:s0] =	ssyncadd.tile.s32 @!p0 $0x1;
	_ =	shalt  }
.Lfunc_end2:
_tile_overlayer_lowered:
.L_overlay_start_2:
0xab: {  	(tag) =	ssettag $0x2  }
0xac: {  	s0 =	rddreg [dreg:$0x0];
	s2 =	stileid.u32  }
0xad: {  	s1 =	rddreg [dreg:$0x1];
	p0 =	sne.s32 s2, $0x0  }
0xae: {  	s3 =	rddreg [dreg:$0x2];
	[bflag:$0x3] =	sbarrier.arrive $0xFFFF;
	s2 =	simm.s32 @!p0 $0x1C15  }
0xaf: {  	[timem:s3], [sflag:s2] =	dma.local @!p0 [hbm:s0], s1  }
0xb0: {  	s0 =	simm.s32 @!p0 $0x15  }
0xb1: {  	_ =	swait.ge @!p0 [sflag:s0], s1  }
0xb2: {  	s1 =	ssub.s32 @!p0 $0x0, s1;
	[sflag:s0] =	ssyncset.done @!p0 $0x0  }
0xb3: {  	[sflag:s0] =	ssyncadd.s32 @!p0 s1  }
0xb4: {  	[bflag:$0x3] =	sbarrier.arrive $0xFFFF  }
0xb5: {  	_ =	shalt  }

// kernel: sparse-core-data-format-call.cloned.1.call-start
scs
called_computation_lowered:
.L_overlay_start_0:
0x0: {  	s2 =	sld [smem:$0x3FD9]  }
0x1: {  	s3 =	sld [smem:$0x3FFE];
	_ =	sdelay $0x1  }
0x2: {  	s1 =	srdreg.scid  }
0x3: {  	s0 =	sand.u32 $0x1, s1  }
0x4: {  	s18 =	sshll.u32 s0, $0xA;
	s2 =	sadd.s32 s3, s2  }
0x5: {  	s2 =	sadd.s32 s2, s18  }
0x6: {  	[smem:$0x3FC6] =	sst s2  }
0x7: {  	_ = 	snop  }
0x8: {  	s2 =	sld [smem:$0x3FD0];
	(tm) =	ssettm $0x1  }
0x9: {  	s19 =	sld [smem:$0x3FFB];
	_ =	sdelay $0x3  }
0xa: {  	_ =	strace s19  }
0xb: {  	s3 =	sld [smem:$0x3FFC];
	_ =	sdelay $0x3  }
0xc: {  	_ =	strace s3  }
0xd: {  	s3 =	sld [smem:$0x3FFD];
	_ =	sdelay $0x3  }
0xe: {  	_ =	strace s3  }
0xf: {  	_ =	strace $0x8FFFFFFF  }
0x10: {  	s20 =	sld [smem:$0x3FDB];
	_ =	sdelay $0x1  }
0x11: {  	s4 =	simm.s32 $_scs_section_size  }
0x12: {  	s5 =	simm.s32 $_size__tile_overlayer_lowered;
	s6 =	simm.s32 $_tile_overlayer_lowered  }
0x13: {  	s23 =	simm.s32 $0x1BFF;
	s22 =	sshll.u32 s6, $0x1;
	s3 =	sadd.s32 s4, s20  }
0x14: {  	s7 =	simm.s32 $0x0;
	s21 =	sshll.u32 s5, $0x1;
	s5 =	sadd.s32 s22, s3  }
0x15: {  	[timem:s7], [sflag:s23] =	dma.local [hbm:s5], s21  }
0x16: {  	_ =	swait.ge [sflag:s23], s21  }
0x17: {  	s4 =	ssub.s32 $0x0, s21;
	[sflag:s23] =	ssyncset.done $0x0  }
0x18: {  	[sflag:s23] =	ssyncadd.s32 s4;
	_ =	sdelay $0x1  }
0x19: {  	s24 =	simm.s32 $0x1B8B  }
0x1a: {  	_ =	swait.ge [sflag:s24], $0x1  }
0x1b: {  	[sflag:s24] =	ssyncset.done $0x0  }
0x1c: {  	s26 =	simm.s32 $0x1B8E;
	s25 =	sld [smem:$0x3FFE];
	[sflag:s24] =	ssyncadd.s32 $0xFFFFFFFF  }
0x1d: {  	s27 =	simm.s32 $execute0_lowered;
	[smem:$0x3FD2] =	sst s26  }
0x1e: {  	s5 =	sshll.u32 s27, $0x1;
	_ =	strace $0x80000049;
	[dreg:$0x1] =	wrdreg $0xFFFFFFFF  }
0x1f: {  	s28 =	simm.s32 $_size_execute0_lowered;
	s3 =	sadd.s32 s3, s5;
	[dreg:$0x0] =	wrdreg $0x0  }
0x20: {  	s5 =	sshll.u32 s28, $0x1;
	[dreg:$0x2] =	wrdreg s3  }
0x21: {  	[dreg:$0x3] =	wrdreg s5  }
0x22: {  	[dreg:$0x4] =	wrdreg $0xC0  }
0x23: {  	_ =	task [dreg:s7], $0x5FFFF  }
0x24: {  	[dreg:$0x1] =	wrdreg $0xFFFFFFFF  }
0x25: {  	[dreg:$0x0] =	wrdreg $0x60  }
0x26: {  	[dreg:$0x2] =	wrdreg s25  }
0x27: {  	[dreg:$0x3] =	wrdreg s2  }
0x28: {  	[dreg:$0x4] =	wrdreg $0x9  }
0x29: {  	_ =	task.clear_ibuf [dreg:s7], $0x5FFFF;
	_ =	strace $0x90000049  }
0x2a: {  	s29 =	simm.s32 $0x9;
	_ =	strace $0x8000004B  }
0x2b: {  	_ =	swait.ge [sflag:s29], $0x1  }
0x2c: {  	[sflag:s29] =	ssyncadd.s32 $0xFFFFFFFF  }
0x2d: {  	_ =	strace $0x9000004B  }
0x2e: {  	_ =	sfence  }
0x2f: {  	s30 =	sld [smem:$0x0];
	_ =	sdelay $0x2  }
0x30: {  	s31 =	sshll.u32 s1, $0xD;
	s1 =	sshrl.u32 s1, $0x2  }
0x31: {  	s3 =	sand.u32 $0x4000, s31;
	s1 =	sadd.s32 s1, s30  }
0x32: {  	s0 =	sor.u32 s3, s0;
	s1 =	sshll.u32 s1, $0x11  }
0x33: {  	s0 =	sor.u32 s1, s0  }
0x34: {  	s0 =	sadd.s32 $0x8F2B, s0  }
0x35: {  	[sflag:s0] =	ssyncadd.remote.s32 $0x1  }
0x36: {  	_ =	sfence.sel $0xFFFF  }
0x37: {  	[dreg:$0x0] =	wrdreg $0xFFFFFFFF;
	(pc) =	sbr.abs _section_cstart, $3  }
0x38: {  	[dreg:$0x1] =	wrdreg $0xFFFFFFFF  }
0x39: {  	_ =	task.clear_ibuf [dreg:s7], $0x2FFFF;
	_ =	strace $0x9FFFFFFF  }
0x3a: {  	(tm) =	ssettm $0x7FFFFFFF  }
0x3b: {  	_ =	shalt  }
tec
execute0_lowered:
.L_overlay_start_1:
0x0: {  	(tag) =	ssettag $0x1  }
0x1: {  	s0 =	srdreg.scid  }
0x2: {  	s1 =	sshll.u32 s0, $0x4  }
0x3: {  	s0 =	stileid.u32;
	s1 =	sand.u32 $0x10, s1  }
0x4: {  	s1 =	sor.u32 s0, s1  }
0x5: {  	s6 =	rddreg [dreg:$0x0];
	s4 =	simm.s32 $0x1;
	s2 =	sshll.u32 s1, $0x7  }
0x6: {  	s7 =	simm.s32 $0x2;
	s12 =	simm.s32 $0x0;
	s1 =	ssub.s32 $0x1000, s2  }
0x7: {  	s8 =	simm.s32 $0x8000;
	s13 =	simm.s32 $0x0;
	s3 =	sand.u32 $0xF80, s1  }
0x8: {  	s9 =	simm.s32 $0x0;
	s5 =	sshrl.u32 s1, $0xC;
	p0 =	sne.s32 s3, $0x0  }
.Ltmp0:
0x9: {  	s1 =	rddreg [dreg:$0x2];
	s4 =	simm.s32 @!p0 $0x0;
	(pc) =	sbr.rel .LBB1_1-.Ltmp0, $4  }
0xa: {  	s11 =	simm.s32 $0x0;
	s3 =	rddreg [dreg:$0x1];
	s5 =	sadd.s32 s4, s5  }
0xb: {  	_ =	strace $0x8000004A;
	s4 =	simm.s32 $0x1;
	s5 =	smul.u32 $0xC8, s5  }
0xc: {  	s6 =	sadd.s32 $0xA00, s6;
	s10 =	smov.u32 s2;
	[sflag:s4] =	ssyncpa.u1 $0x0  }
0xd: {  	p0 =	por $0x0, $0x0;
	[sflag:s7] =	ssyncpa.u1 $0x0;
	s7 =	sor.u32 $0x1, s5  }
.LBB1_4:
0xe: {  	s16 =	sshll.u32 s13, $0x3;
	s17 =	sand.u32 $0x78, s13  }
0xf: {  	s30 =	sand.u32 $0x3E00, s13;
	s12 =	sshll.u32 s12, $0xE;
	s16 =	sand.u32 $0xC00, s16  }
0x10: {  	s31 =	sand.u32 $0x7, s13;
	s16 =	sor.u32 s17, s16;
	s17 =	sadd.s32 s3, s30  }
0x11: {  	s13 =	sshll.u32 s31, $0x12;
	s16 =	sshrl.u32 s16, $0x3;
	s12 =	sadd.s32 s12, s17  }
0x12: {  	[tilespmem:s15+$0x0 ss:$0x81] =	vst.msk $0xffff, v0;
	s13 =	sor.u32 $0x400, s13;
	s12 =	sadd.s32 s16, s12  }
0x13: {  	[hbm4b:s12+s13] =	stream.strided.scatter [tilespmem:s14], [sflag:$0x2], $0x1000, s8, s13, $0x20;
	[tilespmem:$0x4040] =	vst v63  }
.LBB1_5:
0x14: {  	s14 =	sadd.s32 $0x1, s9  }
0x15: {  	s12 =	sadd.s32 $0x1000, s10;
	s16 =	smov.u32 s10;
	p2 =	sgt.s32 s14, $0xC7  }
0x16: {  	s16 =	smov.u32 @p2 s12  }
0x17: {  	s14 =	simm.s32 @p2 $0x0;
	p2 =	sgt.s32 s16, $0xFFF  }
0x18: {  	s16 =	smov.u32 @p2 s2;
	p2 =	sne.s32 s11, s7  }
.Ltmp1:
0x19: {  	p1 =	slt.u32 s11, $0x2;
	(pc) =	sbr.rel @!p2 .LBB1_6-.Ltmp1, $4  }
0x1a: {  	s15 =	simm.s32 @!p1 $0x2  }
0x1b: {  	s13 =	smov.u32 s10;
	p0 =	por !p0, !p0;
	_ =	swait.ge @!p1 [sflag:s15], $0x1000  }
0x1c: {  	s12 =	smov.u32 s9;
	[sflag:s15] =	ssyncset.done @!p1 $0x0;
	s9 =	smov.u32 s14  }
0x1d: {  	s11 =	sadd.s32 $0x1, s11;
	[sflag:s15] =	ssyncadd.s32 @!p1 $0xFFFFF000;
	s10 =	smov.u32 s16  }
.LBB1_1:
0x1e: {  	p1 =	sge.u32 s11, s5  }
0x1f: {  	s14 =	sand.u32 @!p1 $0x1FFFFFF, s9  }
0x20: {  	s15 =	smulhi.u32 @!p1 $0x147AE15, s14;
	_ =	sdelay $0x1  }
0x21: {  	s15 =	smul.u32 @!p1 $0xC8, s15  }
0x22: {  	s16 =	sxor.u32 @!p1 $0xFFFFFFFF, s11;
	s17 =	smul.u32 @!p1 $0xC80, s10  }
0x23: {  	s31 =	sadd.s32 $0xFFFFFFFF, s11;
	s16 =	sshll.u32 @!p1 s16, $0xC;
	s14 =	ssub.s32 @!p1 s14, s15  }
0x24: {  	s15 =	sand.u32 @!p1 $0x1000, s16;
	s16 =	sadd.s32 @!p1 s6, s17;
	s14 =	sshll.u32 @!p1 s14, $0x4  }
0x25: {  	s17 =	simm.s32 @!p1 $0x6400;
	s14 =	sadd.s32 @!p1 s14, s16;
	s16 =	simm.s32 @!p1 $0x20  }
0x26: {  	[tilespmem:s15], [sflag:$0x1] =	stream.strided.gather @!p1 [hbm4b:s14+s16], $0x1000, s17, s16, $0x38;
	[tilespmem:$0x4040] =	vst v63  }
0x27: {  	p1 =	sge.u32 s31, s5  }
.Ltmp2:
0x28: {  	_ = 	snop;
	(pc) =	sbr.rel @p1 .LBB1_5-.Ltmp2, $1  }
0x29: {  	_ =	sdelay $0x3  }
0x2a: {  	s14 =	simm.s32 $0x1  }
0x2b: {  	_ =	swait.ge [sflag:s4], $0x1000;
	s14 =	simm.s32 @!p0 $0x0  }
0x2c: {  	[sflag:s4] =	ssyncset.done $0x0;
	s15 =	sshll.u32 s14, $0xC  }
0x2d: {  	[sflag:s4] =	ssyncadd.s32 $0xFFFFF000;
	s18 =	sor.u32 $0x10, s15  }
0x2e: {  	s14 =	smul.u32 $0x4080, s14;
	v1 =	vld [tilespmem:s18+$0x0]  }
0x2f: {  	s30 =	sand.u32 $0x1, s11;
	v0 =	vld [tilespmem:s18+$0xFFFFFFF0]  }
0x30: {  	s15 =	smul.u32 $0x4080, s30;
	s14 =	sshrl.u32 s14, $0x2  }
0x31: {  	s16 =	sor.u32 $0x2000, s14  }
0x32: {  	s31 =	sshrl.u32 s15, $0x2;
	s15 =	sadd.s32 $0x0, s16  }
0x33: {  	s17 =	simm.s32 $0x4;
	s18 =	sadd.s32 $0x20, s18;
	s14 =	sor.u32 $0x2000, s31;
	[tilespmem:s15+$0x810 ss:$0x81] =	vst.msk $0xffff, v1  }
.LBB1_3:
0x34: {  	v1 =	vld [tilespmem:s18+$0x0];
	p1 =	sne.s32 s17, $0x1FC;
	[tilespmem:s15+$0x0 ss:$0x81] =	vst.msk $0xffff, v0;
	s15 =	smov.u32 s17;
	s17 =	sadd.s32 $0x4, s17  }
.Ltmp3:
0x35: {  	v0 =	vld [tilespmem:s18+$0xFFFFFFF0];
	(pc) =	sbr.rel @p1 .LBB1_3-.Ltmp3, $4  }
0x36: {  	_ = 	snop  }
0x37: {  	s15 =	sshra.s32 s15, $0x2  }
0x38: {  	s15 =	sadd.s32 s15, s16  }
0x39: {  	s18 =	sadd.s32 $0x20, s18;
	[tilespmem:s15+$0x810 ss:$0x81] =	vst.msk $0xffff, v1  }
.Ltmp4:
0x3a: {  	_ = 	snop;
	(pc) =	sbr.rel .LBB1_4-.Ltmp4, $1  }
0x3b: {  	_ =	sdelay $0x3  }
.LBB1_6:
0x3c: {  	_ =	sfence.sel $0x180000  }
0x3d: {  	s2 =	simm.s32 $0x1;
	[bflag:$0x0] =	sbarrier.arrive $0xFFFF  }
0x3e: {  	s31 =	simm.s32 $0x2;
	[sflag:s2] =	ssyncpa.u1 $0x1  }
0x3f: {  	[sflag:s31] =	ssyncpa.u1 $0x1  }
0x40: {  	p0 =	sne.s32 s0, $0x0;
	_ =	strace $0x9000004A  }
0x41: {  	s0 =	sadd.s32 @!p0 $0x100000, s1;
	[bflag:$0x2] =	sbarrier.arrive $0xFFFF  }
0x42: {  	[sflag:s0] =	ssyncadd.tile.s32 @!p0 $0x1;
	_ =	shalt  }
.Lfunc_end1:
_tile_overlayer_lowered:
.L_overlay_start_2:
0x43: {  	(tag) =	ssettag $0x2  }
0x44: {  	s0 =	rddreg [dreg:$0x0];
	s2 =	stileid.u32  }
0x45: {  	s1 =	rddreg [dreg:$0x1];
	p0 =	sne.s32 s2, $0x0  }
0x46: {  	s3 =	rddreg [dreg:$0x2];
	[bflag:$0x3] =	sbarrier.arrive $0xFFFF;
	s2 =	simm.s32 @!p0 $0x1C01  }
0x47: {  	[timem:s3], [sflag:s2] =	dma.local @!p0 [hbm:s0], s1  }
0x48: {  	s0 =	simm.s32 @!p0 $0x1  }
0x49: {  	_ =	swait.ge @!p0 [sflag:s0], s1  }
0x4a: {  	s1 =	ssub.s32 @!p0 $0x0, s1;
	[sflag:s0] =	ssyncset.done @!p0 $0x0  }
0x4b: {  	[sflag:s0] =	ssyncadd.s32 @!p0 s1  }
0x4c: {  	[bflag:$0x3] =	sbarrier.arrive $0xFFFF  }
0x4d: {  	_ =	shalt  }

</sc_bundles>
